<compile_context>
chip_gen: v7x
topology: tpu7x:2x2x1
jax: 0.10.2.dev20260603
libtpu: 0.0.44.dev20260713+nightly
codegen_flags: <defaults>
</compile_context>

<pallas_src>
import functools
import numpy as np
import jax
import jax.numpy as jnp
from jax import lax
from jax.experimental import pallas as pl
from jax.experimental.pallas import tpu as pltpu
from jax.experimental.pallas import tpu_sc as plsc

VOCAB = 64
EMBED = 512
SEQ = 512
BATCH = 128
SCALE = float(np.sqrt(EMBED))

NW = 32
B_PER_W = BATCH // NW
S_CH = 32
NSC = SEQ // S_CH
NIT = NSC * B_PER_W
NBUF = 2
L = 16


def _pos_encoding(length, depth):
    half = depth // 2
    positions = np.arange(length)[:, np.newaxis]
    depths = np.arange(half)[np.newaxis, :] / half
    angle_rates = 1 / 10000 ** depths
    angle_rads = positions * angle_rates
    return np.concatenate(
        [np.sin(angle_rads), np.cos(angle_rads)], axis=-1
    ).astype(np.float32)


def _scale_body(table_ref, out_ref):
    out_ref[...] = table_ref[...] * SCALE


def _scaled_table(table):
    return pl.pallas_call(
        _scale_body,
        out_shape=jax.ShapeDtypeStruct((VOCAB, EMBED), jnp.float32),
    )(table)


def _sc_body(
    x_hbm, table_hbm, pos_hbm, out_hbm,
    pos_v, idx_v, rows_v, rows_sh, gsem, ssem, psem, csem,
):
    sid = lax.axis_index("s")
    wid = sid * 2 + lax.axis_index("c")
    b0 = wid * B_PER_W

    pltpu.sync_copy(x_hbm.at[pl.ds(b0 * SEQ, B_PER_W * SEQ)], idx_v)

    def pos_load(sc):
        return pltpu.make_async_copy(
            pos_hbm.at[pl.ds(sc * S_CH, S_CH), :],
            pos_v.at[lax.rem(sc, 2)],
            psem.at[lax.rem(sc, 2)],
        )

    def gather(c):
        sc = c // B_PER_W
        j = lax.rem(c, B_PER_W)
        buf = lax.rem(c, NBUF)
        return pltpu.make_async_copy(
            table_hbm.at[idx_v.at[pl.ds(j * SEQ + sc * S_CH, S_CH)]],
            rows_v.at[buf],
            gsem.at[buf],
        )

    def scatter(c):
        sc = c // B_PER_W
        j = lax.rem(c, B_PER_W)
        sbuf = lax.rem(c, 2)
        return pltpu.make_async_copy(
            rows_sh.at[sid, sbuf],
            out_hbm.at[b0 + j, pl.ds(sc * S_CH, S_CH), :],
            ssem.at[sbuf],
        )

    def stage(c):
        return pltpu.make_async_copy(
            rows_v.at[lax.rem(c, NBUF)],
            rows_sh.at[sid, lax.rem(c, 2)],
            csem.at[lax.rem(c, 2)],
        )

    pos_load(0).start()
    gather(0).start()

    def chunk(c, _):
        sc = c // B_PER_W
        buf = lax.rem(c, NBUF)

        @pl.when(c >= 1)
        def _():
            stage(c - 1).wait()
            scatter(c - 1).start()

        @pl.when(lax.rem(c, B_PER_W) == 0)
        def _():
            pos_load(sc).wait()

            @pl.when(sc + 1 < NSC)
            def _():
                pos_load(sc + 1).start()

        @pl.when(c + 1 < NIT)
        def _():
            gather(c + 1).start()

        gather(c).wait()

        pbuf = lax.rem(sc, 2)

        def add_row(t):
            for k in range(EMBED // L):
                sl = pl.ds(k * L, L)
                p = pos_v[pbuf, t, sl]
                plsc.addupdate(rows_v.at[buf, t, sl], p)

        plsc.parallel_loop(0, S_CH, 1, unroll=4)(add_row)

        @pl.when(c >= 2)
        def _():
            scatter(c - 2).wait()

        stage(c).start()
        return 0

    lax.fori_loop(0, NIT, chunk, 0, unroll=False)

    stage(NIT - 1).wait()
    scatter(NIT - 1).start()
    scatter(NIT - 2).wait()
    scatter(NIT - 1).wait()


def kernel(x, table):
    pos = jnp.asarray(_pos_encoding(SEQ, EMBED))
    tbl = _scaled_table(table)
    xf = x.astype(jnp.int32).reshape(-1)

    mesh = plsc.VectorSubcoreMesh(core_axis_name="c", subcore_axis_name="s")
    sc = pl.kernel(
        _sc_body,
        mesh=mesh,
        out_type=jax.ShapeDtypeStruct((BATCH, SEQ, EMBED), jnp.float32),
        scratch_types=[
            pltpu.VMEM((2, S_CH, EMBED), jnp.float32),
            pltpu.VMEM((B_PER_W * SEQ,), jnp.int32),
            pltpu.VMEM((NBUF, S_CH, EMBED), jnp.float32),
            pltpu.VMEM_SHARED((16, 2, S_CH, EMBED), jnp.float32),
            pltpu.SemaphoreType.DMA((NBUF,)),
            pltpu.SemaphoreType.DMA((2,)),
            pltpu.SemaphoreType.DMA((2,)),
            pltpu.SemaphoreType.DMA((2,)),
        ],
    )
    return sc(xf, tbl, pos)

# --- scband reference (transcript-rebuilt; emitter-appended) ---
"""Pipeline reference for scband-positional-encoding-180388627220 (READ-ONLY COPY).

The authoritative reference and input builder live on the scoring server;
editing this copy changes nothing except your own understanding.
"""

import jax, jax.numpy as jnp
import numpy as np

VOCAB_SIZE = 64
EMBED_SIZE = 512
SEQ_LEN = 512
BATCH = 128

def positional_encoding(length, depth):
    depth = depth / 2
    positions = np.arange(length)[:, np.newaxis]
    depths = np.arange(depth)[np.newaxis, :] / depth
    angle_rates = 1 / 10000 ** depths
    angle_rads = positions * angle_rates
    pos_encoding = np.concatenate([np.sin(angle_rads), np.cos(angle_rads)], axis=-1)
    return jnp.asarray(pos_encoding, dtype=jnp.float32)

def setup_inputs(seed: int = 0) -> dict:
    key = jax.random.key(seed)
    k1, k2 = jax.random.split(key)
    x = jax.random.randint(k1, (BATCH, SEQ_LEN), 0, VOCAB_SIZE, dtype=jnp.int64 if jax.config.jax_enable_x64 else jnp.int32)
    table = jax.random.normal(k2, (VOCAB_SIZE, EMBED_SIZE), dtype=jnp.float32) * 0.02
    return {"x": x, "table": table}

def reference(x, table):
    length = x.shape[1]
    pos_encoding = positional_encoding(SEQ_LEN, EMBED_SIZE)
    emb = jnp.take(table, x, axis=0)
    emb = emb * jnp.sqrt(jnp.asarray(EMBED_SIZE, dtype=jnp.float32))
    out = emb + pos_encoding[jnp.newaxis, :length, :]
    return out

if __name__ == "__main__":
    import jax
    _d = setup_inputs()
    print(jax.jit(kernel)(*tuple(_d.values())))

</pallas_src>

<mosaic_0001>
#map = affine_map<(d0, d1) -> (0)>
#map1 = affine_map<(d0, d1) -> (0, 0)>
#map2 = affine_map<(d0, d1) -> (0, 0, 0)>
module attributes {stable_mosaic.version = 14 : i64} {
  func.func @_sc_body(%arg0: i32, %arg1: i32, %arg2: memref<65536xi32, #tpu.memory_space<hbm>>, %arg3: memref<64x512xf32, #tpu.memory_space<hbm>>, %arg4: memref<512x512xf32, #tpu.memory_space<hbm>>, %arg5: memref<128x512x512xf32, #tpu.memory_space<hbm>>, %arg6: memref<2x32x512xf32, #tpu.memory_space<vmem>>, %arg7: memref<2048xi32, #tpu.memory_space<vmem>>, %arg8: memref<2x32x512xf32, #tpu.memory_space<vmem>>, %arg9: memref<16x2x32x512xf32, #tpu.memory_space<vmem_shared>>, %arg10: memref<2x!tpu.dma_semaphore, #tpu.memory_space<semaphore_mem>>, %arg11: memref<2x!tpu.dma_semaphore, #tpu.memory_space<semaphore_mem>>, %arg12: memref<2x!tpu.dma_semaphore, #tpu.memory_space<semaphore_mem>>, %arg13: memref<2x!tpu.dma_semaphore, #tpu.memory_space<semaphore_mem>>) attributes {dimension_semantics = [#tpu.dimension_semantics<core_parallel>, #tpu.dimension_semantics<subcore_parallel>], iteration_bounds = array<i64: 2, 16>, scalar_prefetch = 0 : i64, scratch_operands = 8 : i64, tpu.core_type = #tpu.core_type<sc_vector_subcore>, window_params = [{transform_indices = #map}, {transform_indices = #map1}, {transform_indices = #map1}, {transform_indices = #map2}]} {
    %mul3A = arith.constant 2 : i32
    %mul3A_0 = arith.muli %arg1, %mul3A : i32
    %add3A = arith.addi %mul3A_0, %arg0 : i32
    %mul3A_1 = arith.constant 4 : i32
    %mul3A_2 = arith.muli %add3A, %mul3A_1 : i32
    %mul3A_3 = arith.constant 512 : i32
    %mul3A_4 = arith.muli %mul3A_2, %mul3A_3 : i32
    "tpu.region"() ({
      %run_scoped3A = tpu.sem_alloc : memref<!tpu.dma_semaphore, #tpu.memory_space<semaphore_mem>>
      %dma_start3A_128 = tpu.memref_slice %arg2[%mul3A_4] : memref<65536xi32, #tpu.memory_space<hbm>> -> memref<2048xi32, #tpu.memory_space<hbm>>
      %dma_start3A_129 = tpu.memref_slice %arg2[%mul3A_4] : memref<65536xi32, #tpu.memory_space<hbm>> -> memref<2048xi32, #tpu.memory_space<hbm>>
      tpu.enqueue_dma source(%dma_start3A_129 : memref<2048xi32, #tpu.memory_space<hbm>>) target(%arg7 : memref<2048xi32, #tpu.memory_space<vmem>>) target_semaphore(%run_scoped3A : memref<!tpu.dma_semaphore, #tpu.memory_space<semaphore_mem>>)
      %dma_wait3A_130 = tpu.memref_slice %arg2[%mul3A_4] : memref<65536xi32, #tpu.memory_space<hbm>> -> memref<2048xi32, #tpu.memory_space<hbm>>
      %dma_wait3A_131 = tpu.memref_slice %arg2[%mul3A_4] : memref<65536xi32, #tpu.memory_space<hbm>> -> memref<2048xi32, #tpu.memory_space<hbm>>
      tpu.wait_dma2 semaphore(%run_scoped3A : memref<!tpu.dma_semaphore, #tpu.memory_space<semaphore_mem>>) src(%dma_wait3A_131 : memref<2048xi32, #tpu.memory_space<hbm>>) dst(%arg7 : memref<2048xi32, #tpu.memory_space<vmem>>)
      tpu.yield
    }) : () -> ()
    %rem3A = arith.constant 0 : i32
    %rem3A_5 = arith.constant 2 : i32
    %rem3A_6 = arith.remsi %rem3A, %rem3A_5 : i32
    %rem3A_7 = arith.constant 0 : i32
    %rem3A_8 = arith.constant 2 : i32
    %rem3A_9 = arith.remsi %rem3A_7, %rem3A_8 : i32
    %dma_start3A = arith.constant 0 : i32
    %dma_start3A_10 = arith.constant 0 : i32
    %dma_start3A_11 = tpu.memref_slice %arg6[%rem3A_6, %dma_start3A, %dma_start3A_10] : memref<2x32x512xf32, #tpu.memory_space<vmem>> -> memref<1x32x512xf32, #tpu.memory_space<vmem>>
    %dma_start3A_12 = tpu.memref_squeeze %dma_start3A_11 : memref<1x32x512xf32, #tpu.memory_space<vmem>> -> memref<32x512xf32, #tpu.memory_space<vmem>>
    %dma_start3A_13 = arith.constant 0 : i32
    %dma_start3A_14 = arith.constant 0 : i32
    %dma_start3A_15 = tpu.memref_slice %arg4[%dma_start3A_13, %dma_start3A_14] : memref<512x512xf32, #tpu.memory_space<hbm>> -> memref<32x512xf32, #tpu.memory_space<hbm>>
    %dma_start3A_16 = tpu.memref_slice %arg12[%rem3A_9] : memref<2x!tpu.dma_semaphore, #tpu.memory_space<semaphore_mem>> -> memref<1x!tpu.dma_semaphore, #tpu.memory_space<semaphore_mem>>
    %dma_start3A_17 = tpu.memref_squeeze %dma_start3A_16 : memref<1x!tpu.dma_semaphore, #tpu.memory_space<semaphore_mem>> -> memref<!tpu.dma_semaphore, #tpu.memory_space<semaphore_mem>>
    %dma_start3A_18 = arith.constant 0 : i32
    %dma_start3A_19 = arith.constant 0 : i32
    %dma_start3A_20 = tpu.memref_slice %arg6[%rem3A_6, %dma_start3A_18, %dma_start3A_19] : memref<2x32x512xf32, #tpu.memory_space<vmem>> -> memref<1x32x512xf32, #tpu.memory_space<vmem>>
    %dma_start3A_21 = tpu.memref_squeeze %dma_start3A_20 : memref<1x32x512xf32, #tpu.memory_space<vmem>> -> memref<32x512xf32, #tpu.memory_space<vmem>>
    %dma_start3A_22 = arith.constant 0 : i32
    %dma_start3A_23 = arith.constant 0 : i32
    %dma_start3A_24 = tpu.memref_slice %arg4[%dma_start3A_22, %dma_start3A_23] : memref<512x512xf32, #tpu.memory_space<hbm>> -> memref<32x512xf32, #tpu.memory_space<hbm>>
    tpu.enqueue_dma source(%dma_start3A_24 : memref<32x512xf32, #tpu.memory_space<hbm>>) target(%dma_start3A_21 : memref<32x512xf32, #tpu.memory_space<vmem>>) target_semaphore(%dma_start3A_17 : memref<!tpu.dma_semaphore, #tpu.memory_space<semaphore_mem>>)
    %rem3A_25 = arith.constant 0 : i32
    %rem3A_26 = arith.constant 4 : i32
    %rem3A_27 = arith.remsi %rem3A_25, %rem3A_26 : i32
    %rem3A_28 = arith.constant 0 : i32
    %rem3A_29 = arith.constant 2 : i32
    %rem3A_30 = arith.remsi %rem3A_28, %rem3A_29 : i32
    %mul3A_31 = arith.constant 512 : i32
    %mul3A_32 = arith.muli %rem3A_27, %mul3A_31 : i32
    %add3A_33 = arith.constant 0 : i32
    %add3A_34 = arith.addi %mul3A_32, %add3A_33 : i32
    %dma_start3A_35 = arith.constant 0 : i32
    %dma_start3A_36 = arith.constant 0 : i32
    %dma_start3A_37 = tpu.memref_slice %arg8[%rem3A_30, %dma_start3A_35, %dma_start3A_36] : memref<2x32x512xf32, #tpu.memory_space<vmem>> -> memref<1x32x512xf32, #tpu.memory_space<vmem>>
    %dma_start3A_38 = tpu.memref_squeeze %dma_start3A_37 : memref<1x32x512xf32, #tpu.memory_space<vmem>> -> memref<32x512xf32, #tpu.memory_space<vmem>>
    %dma_start3A_39 = tpu.memref_slice %arg7[%add3A_34] : memref<2048xi32, #tpu.memory_space<vmem>> -> memref<32xi32, #tpu.memory_space<vmem>>
    %dma_start3A_40 = arith.constant 0 : i32
    %dma_start3A_41 = arith.constant 0 : i32
    %dma_start3A_42 = tpu.memref_slice %arg3[%dma_start3A_40, %dma_start3A_41] : memref<64x512xf32, #tpu.memory_space<hbm>> -> memref<64x512xf32, #tpu.memory_space<hbm>>
    %dma_start3A_43 = tpu.memref_slice %arg10[%rem3A_30] : memref<2x!tpu.dma_semaphore, #tpu.memory_space<semaphore_mem>> -> memref<1x!tpu.dma_semaphore, #tpu.memory_space<semaphore_mem>>
    %dma_start3A_44 = tpu.memref_squeeze %dma_start3A_43 : memref<1x!tpu.dma_semaphore, #tpu.memory_space<semaphore_mem>> -> memref<!tpu.dma_semaphore, #tpu.memory_space<semaphore_mem>>
    tpu.enqueue_indirect_dma source(%dma_start3A_42 : memref<64x512xf32, #tpu.memory_space<hbm>>) target(%dma_start3A_38 : memref<32x512xf32, #tpu.memory_space<vmem>>) offsets(%dma_start3A_39 : memref<32xi32, #tpu.memory_space<vmem>>) semaphore(%dma_start3A_44 : memref<!tpu.dma_semaphore, #tpu.memory_space<semaphore_mem>>)
    %scan3A = arith.constant 0 : i32
    %scan3A_45 = arith.constant 0 : i32
    %scan3A_46 = arith.constant 64 : i32
    %scan3A_47 = arith.addi %scan3A_45, %scan3A_46 : i32
    %scan3A_48 = arith.constant 1 : i32
    %scan3A_49 = scf.for %scan3A_128 = %scan3A_45 to %scan3A_47 step %scan3A_48 iter_args(%scan3A_129 = %scan3A) -> (i32)  : i32 {
      %jit3A = arith.constant 4 : i32
      %div3A = arith.divsi %scan3A_128, %jit3A : i32
      %sign3A = arith.constant 0 : i32
      %sign3A_130 = arith.cmpi sgt, %scan3A_128, %sign3A : i32
      %sign3A_131 = arith.extui %sign3A_130 : i1 to i32
      %sign3A_132 = arith.constant 0 : i32
      %sign3A_133 = arith.cmpi slt, %scan3A_128, %sign3A_132 : i32
      %sign3A_134 = arith.extui %sign3A_133 : i1 to i32
      %sign3A_135 = arith.subi %sign3A_131, %sign3A_134 : i32
      %sign3A_136 = arith.constant 0 : i32
      %sign3A_137 = arith.cmpi sgt, %jit3A, %sign3A_136 : i32
      %sign3A_138 = arith.extui %sign3A_137 : i1 to i32
      %sign3A_139 = arith.constant 0 : i32
      %sign3A_140 = arith.cmpi slt, %jit3A, %sign3A_139 : i32
      %sign3A_141 = arith.extui %sign3A_140 : i1 to i32
      %sign3A_142 = arith.subi %sign3A_138, %sign3A_141 : i32
      %ne3A = arith.cmpi ne, %sign3A_135, %sign3A_142 : i32
      %rem3A_143 = arith.remsi %scan3A_128, %jit3A : i32
      %ne3A_144 = arith.constant 0 : i32
      %ne3A_145 = arith.cmpi ne, %rem3A_143, %ne3A_144 : i32
      %and3A = arith.andi %ne3A, %ne3A_145 : i1
      %sub3A = arith.constant 1 : i32
      %sub3A_146 = arith.subi %div3A, %sub3A : i32
      %select_n3A = arith.select %and3A, %sub3A_146, %div3A : i32
      %rem3A_147 = arith.constant 2 : i32
      %rem3A_148 = arith.remsi %scan3A_128, %rem3A_147 : i32
      %ge3A = arith.constant 1 : i32
      %ge3A_149 = arith.cmpi sge, %scan3A_128, %ge3A : i32
      %convert_element_type3A = arith.extui %ge3A_149 : i1 to i32
      %cond3A = arith.constant 0 : i32
      %cond3A_150 = arith.cmpi ne, %convert_element_type3A, %cond3A : i32
      scf.if %cond3A_150 {
        %sub3A_240 = arith.constant 1 : i32
        %sub3A_241 = arith.subi %scan3A_128, %sub3A_240 : i32
        %rem3A_242 = arith.constant 2 : i32
        %rem3A_243 = arith.remsi %sub3A_241, %rem3A_242 : i32
        %rem3A_244 = arith.constant 2 : i32
        %rem3A_245 = arith.remsi %sub3A_241, %rem3A_244 : i32
        %rem3A_246 = arith.constant 2 : i32
        %rem3A_247 = arith.remsi %sub3A_241, %rem3A_246 : i32
        %dma_wait3A_248 = arith.constant 0 : i32
        %dma_wait3A_249 = arith.constant 0 : i32
        %dma_wait3A_250 = tpu.memref_slice %arg8[%rem3A_243, %dma_wait3A_248, %dma_wait3A_249] : memref<2x32x512xf32, #tpu.memory_space<vmem>> -> memref<1x32x512xf32, #tpu.memory_space<vmem>>
        %dma_wait3A_251 = tpu.memref_squeeze %dma_wait3A_250 : memref<1x32x512xf32, #tpu.memory_space<vmem>> -> memref<32x512xf32, #tpu.memory_space<vmem>>
        %dma_wait3A_252 = arith.constant 0 : i32
        %dma_wait3A_253 = arith.constant 0 : i32
        %dma_wait3A_254 = tpu.memref_slice %arg9[%arg1, %rem3A_245, %dma_wait3A_252, %dma_wait3A_253] : memref<16x2x32x512xf32, #tpu.memory_space<vmem_shared>> -> memref<1x1x32x512xf32, #tpu.memory_space<vmem_shared>>
        %dma_wait3A_255 = tpu.memref_squeeze %dma_wait3A_254 : memref<1x1x32x512xf32, #tpu.memory_space<vmem_shared>> -> memref<32x512xf32, #tpu.memory_space<vmem_shared>>
        %dma_wait3A_256 = tpu.memref_slice %arg13[%rem3A_247] : memref<2x!tpu.dma_semaphore, #tpu.memory_space<semaphore_mem>> -> memref<1x!tpu.dma_semaphore, #tpu.memory_space<semaphore_mem>>
        %dma_wait3A_257 = tpu.memref_squeeze %dma_wait3A_256 : memref<1x!tpu.dma_semaphore, #tpu.memory_space<semaphore_mem>> -> memref<!tpu.dma_semaphore, #tpu.memory_space<semaphore_mem>>
        %dma_wait3A_258 = arith.constant 0 : i32
        %dma_wait3A_259 = arith.constant 0 : i32
        %dma_wait3A_260 = tpu.memref_slice %arg9[%arg1, %rem3A_245, %dma_wait3A_258, %dma_wait3A_259] : memref<16x2x32x512xf32, #tpu.memory_space<vmem_shared>> -> memref<1x1x32x512xf32, #tpu.memory_space<vmem_shared>>
        %dma_wait3A_261 = tpu.memref_squeeze %dma_wait3A_260 : memref<1x1x32x512xf32, #tpu.memory_space<vmem_shared>> -> memref<32x512xf32, #tpu.memory_space<vmem_shared>>
        %dma_wait3A_262 = arith.constant 0 : i32
        %dma_wait3A_263 = arith.constant 0 : i32
        %dma_wait3A_264 = tpu.memref_slice %arg8[%rem3A_243, %dma_wait3A_262, %dma_wait3A_263] : memref<2x32x512xf32, #tpu.memory_space<vmem>> -> memref<1x32x512xf32, #tpu.memory_space<vmem>>
        %dma_wait3A_265 = tpu.memref_squeeze %dma_wait3A_264 : memref<1x32x512xf32, #tpu.memory_space<vmem>> -> memref<32x512xf32, #tpu.memory_space<vmem>>
        tpu.wait_dma2 semaphore(%dma_wait3A_257 : memref<!tpu.dma_semaphore, #tpu.memory_space<semaphore_mem>>) src(%dma_wait3A_265 : memref<32x512xf32, #tpu.memory_space<vmem>>) dst(%dma_wait3A_261 : memref<32x512xf32, #tpu.memory_space<vmem_shared>>)
        %sub3A_266 = arith.constant 1 : i32
        %sub3A_267 = arith.subi %scan3A_128, %sub3A_266 : i32
        %jit3A_268 = arith.constant 4 : i32
        %div3A_269 = arith.divsi %sub3A_267, %jit3A_268 : i32
        %sign3A_270 = arith.constant 0 : i32
        %sign3A_271 = arith.cmpi sgt, %sub3A_267, %sign3A_270 : i32
        %sign3A_272 = arith.extui %sign3A_271 : i1 to i32
        %sign3A_273 = arith.constant 0 : i32
        %sign3A_274 = arith.cmpi slt, %sub3A_267, %sign3A_273 : i32
        %sign3A_275 = arith.extui %sign3A_274 : i1 to i32
        %sign3A_276 = arith.subi %sign3A_272, %sign3A_275 : i32
        %sign3A_277 = arith.constant 0 : i32
        %sign3A_278 = arith.cmpi sgt, %jit3A_268, %sign3A_277 : i32
        %sign3A_279 = arith.extui %sign3A_278 : i1 to i32
        %sign3A_280 = arith.constant 0 : i32
        %sign3A_281 = arith.cmpi slt, %jit3A_268, %sign3A_280 : i32
        %sign3A_282 = arith.extui %sign3A_281 : i1 to i32
        %sign3A_283 = arith.subi %sign3A_279, %sign3A_282 : i32
        %ne3A_284 = arith.cmpi ne, %sign3A_276, %sign3A_283 : i32
        %rem3A_285 = arith.remsi %sub3A_267, %jit3A_268 : i32
        %ne3A_286 = arith.constant 0 : i32
        %ne3A_287 = arith.cmpi ne, %rem3A_285, %ne3A_286 : i32
        %and3A_288 = arith.andi %ne3A_284, %ne3A_287 : i1
        %sub3A_289 = arith.constant 1 : i32
        %sub3A_290 = arith.subi %div3A_269, %sub3A_289 : i32
        %select_n3A_291 = arith.select %and3A_288, %sub3A_290, %div3A_269 : i32
        %rem3A_292 = arith.constant 4 : i32
        %rem3A_293 = arith.remsi %sub3A_267, %rem3A_292 : i32
        %rem3A_294 = arith.constant 2 : i32
        %rem3A_295 = arith.remsi %sub3A_267, %rem3A_294 : i32
        %add3A_296 = arith.addi %mul3A_2, %rem3A_293 : i32
        %mul3A_297 = arith.constant 32 : i32
        %mul3A_298 = arith.muli %select_n3A_291, %mul3A_297 : i32
        %dma_start3A_299 = tpu.memref_slice %arg11[%rem3A_295] : memref<2x!tpu.dma_semaphore, #tpu.memory_space<semaphore_mem>> -> memref<1x!tpu.dma_semaphore, #tpu.memory_space<semaphore_mem>>
        %dma_start3A_300 = tpu.memref_squeeze %dma_start3A_299 : memref<1x!tpu.dma_semaphore, #tpu.memory_space<semaphore_mem>> -> memref<!tpu.dma_semaphore, #tpu.memory_space<semaphore_mem>>
        %dma_start3A_301 = arith.constant 0 : i32
        %dma_start3A_302 = tpu.memref_slice %arg5[%add3A_296, %mul3A_298, %dma_start3A_301] : memref<128x512x512xf32, #tpu.memory_space<hbm>> -> memref<1x32x512xf32, #tpu.memory_space<hbm>>
        %dma_start3A_303 = tpu.memref_squeeze %dma_start3A_302 : memref<1x32x512xf32, #tpu.memory_space<hbm>> -> memref<32x512xf32, #tpu.memory_space<hbm>>
        %dma_start3A_304 = arith.constant 0 : i32
        %dma_start3A_305 = arith.constant 0 : i32
        %dma_start3A_306 = tpu.memref_slice %arg9[%arg1, %rem3A_295, %dma_start3A_304, %dma_start3A_305] : memref<16x2x32x512xf32, #tpu.memory_space<vmem_shared>> -> memref<1x1x32x512xf32, #tpu.memory_space<vmem_shared>>
        %dma_start3A_307 = tpu.memref_squeeze %dma_start3A_306 : memref<1x1x32x512xf32, #tpu.memory_space<vmem_shared>> -> memref<32x512xf32, #tpu.memory_space<vmem_shared>>
        tpu.enqueue_dma source(%dma_start3A_307 : memref<32x512xf32, #tpu.memory_space<vmem_shared>>) target(%dma_start3A_303 : memref<32x512xf32, #tpu.memory_space<hbm>>) target_semaphore(%dma_start3A_300 : memref<!tpu.dma_semaphore, #tpu.memory_space<semaphore_mem>>)
      } else {
      }
      %rem3A_151 = arith.constant 4 : i32
      %rem3A_152 = arith.remsi %scan3A_128, %rem3A_151 : i32
      %eq3A = arith.constant 0 : i32
      %eq3A_153 = arith.cmpi eq, %rem3A_152, %eq3A : i32
      %convert_element_type3A_154 = arith.extui %eq3A_153 : i1 to i32
      %cond3A_155 = arith.constant 0 : i32
      %cond3A_156 = arith.cmpi ne, %convert_element_type3A_154, %cond3A_155 : i32
      scf.if %cond3A_156 {
        %mul3A_240 = arith.constant 32 : i32
        %mul3A_241 = arith.muli %select_n3A, %mul3A_240 : i32
        %rem3A_242 = arith.constant 2 : i32
        %rem3A_243 = arith.remsi %select_n3A, %rem3A_242 : i32
        %rem3A_244 = arith.constant 2 : i32
        %rem3A_245 = arith.remsi %select_n3A, %rem3A_244 : i32
        %dma_wait3A_246 = arith.constant 0 : i32
        %dma_wait3A_247 = arith.constant 0 : i32
        %dma_wait3A_248 = tpu.memref_slice %arg6[%rem3A_243, %dma_wait3A_246, %dma_wait3A_247] : memref<2x32x512xf32, #tpu.memory_space<vmem>> -> memref<1x32x512xf32, #tpu.memory_space<vmem>>
        %dma_wait3A_249 = tpu.memref_squeeze %dma_wait3A_248 : memref<1x32x512xf32, #tpu.memory_space<vmem>> -> memref<32x512xf32, #tpu.memory_space<vmem>>
        %dma_wait3A_250 = arith.constant 0 : i32
        %dma_wait3A_251 = tpu.memref_slice %arg4[%mul3A_241, %dma_wait3A_250] : memref<512x512xf32, #tpu.memory_space<hbm>> -> memref<32x512xf32, #tpu.memory_space<hbm>>
        %dma_wait3A_252 = tpu.memref_slice %arg12[%rem3A_245] : memref<2x!tpu.dma_semaphore, #tpu.memory_space<semaphore_mem>> -> memref<1x!tpu.dma_semaphore, #tpu.memory_space<semaphore_mem>>
        %dma_wait3A_253 = tpu.memref_squeeze %dma_wait3A_252 : memref<1x!tpu.dma_semaphore, #tpu.memory_space<semaphore_mem>> -> memref<!tpu.dma_semaphore, #tpu.memory_space<semaphore_mem>>
        %dma_wait3A_254 = arith.constant 0 : i32
        %dma_wait3A_255 = arith.constant 0 : i32
        %dma_wait3A_256 = tpu.memref_slice %arg6[%rem3A_243, %dma_wait3A_254, %dma_wait3A_255] : memref<2x32x512xf32, #tpu.memory_space<vmem>> -> memref<1x32x512xf32, #tpu.memory_space<vmem>>
        %dma_wait3A_257 = tpu.memref_squeeze %dma_wait3A_256 : memref<1x32x512xf32, #tpu.memory_space<vmem>> -> memref<32x512xf32, #tpu.memory_space<vmem>>
        %dma_wait3A_258 = arith.constant 0 : i32
        %dma_wait3A_259 = tpu.memref_slice %arg4[%mul3A_241, %dma_wait3A_258] : memref<512x512xf32, #tpu.memory_space<hbm>> -> memref<32x512xf32, #tpu.memory_space<hbm>>
        tpu.wait_dma2 semaphore(%dma_wait3A_253 : memref<!tpu.dma_semaphore, #tpu.memory_space<semaphore_mem>>) src(%dma_wait3A_259 : memref<32x512xf32, #tpu.memory_space<hbm>>) dst(%dma_wait3A_257 : memref<32x512xf32, #tpu.memory_space<vmem>>)
        %add3A_260 = arith.constant 1 : i32
        %add3A_261 = arith.addi %select_n3A, %add3A_260 : i32
        %lt3A_262 = arith.constant 16 : i32
        %lt3A_263 = arith.cmpi slt, %add3A_261, %lt3A_262 : i32
        %convert_element_type3A_264 = arith.extui %lt3A_263 : i1 to i32
        %cond3A_265 = arith.constant 0 : i32
        %cond3A_266 = arith.cmpi ne, %convert_element_type3A_264, %cond3A_265 : i32
        scf.if %cond3A_266 {
          %add3A_267 = arith.constant 1 : i32
          %add3A_268 = arith.addi %select_n3A, %add3A_267 : i32
          %mul3A_269 = arith.constant 32 : i32
          %mul3A_270 = arith.muli %add3A_268, %mul3A_269 : i32
          %rem3A_271 = arith.constant 2 : i32
          %rem3A_272 = arith.remsi %add3A_268, %rem3A_271 : i32
          %rem3A_273 = arith.constant 2 : i32
          %rem3A_274 = arith.remsi %add3A_268, %rem3A_273 : i32
          %dma_start3A_275 = arith.constant 0 : i32
          %dma_start3A_276 = arith.constant 0 : i32
          %dma_start3A_277 = tpu.memref_slice %arg6[%rem3A_272, %dma_start3A_275, %dma_start3A_276] : memref<2x32x512xf32, #tpu.memory_space<vmem>> -> memref<1x32x512xf32, #tpu.memory_space<vmem>>
          %dma_start3A_278 = tpu.memref_squeeze %dma_start3A_277 : memref<1x32x512xf32, #tpu.memory_space<vmem>> -> memref<32x512xf32, #tpu.memory_space<vmem>>
          %dma_start3A_279 = arith.constant 0 : i32
          %dma_start3A_280 = tpu.memref_slice %arg4[%mul3A_270, %dma_start3A_279] : memref<512x512xf32, #tpu.memory_space<hbm>> -> memref<32x512xf32, #tpu.memory_space<hbm>>
          %dma_start3A_281 = tpu.memref_slice %arg12[%rem3A_274] : memref<2x!tpu.dma_semaphore, #tpu.memory_space<semaphore_mem>> -> memref<1x!tpu.dma_semaphore, #tpu.memory_space<semaphore_mem>>
          %dma_start3A_282 = tpu.memref_squeeze %dma_start3A_281 : memref<1x!tpu.dma_semaphore, #tpu.memory_space<semaphore_mem>> -> memref<!tpu.dma_semaphore, #tpu.memory_space<semaphore_mem>>
          %dma_start3A_283 = arith.constant 0 : i32
          %dma_start3A_284 = arith.constant 0 : i32
          %dma_start3A_285 = tpu.memref_slice %arg6[%rem3A_272, %dma_start3A_283, %dma_start3A_284] : memref<2x32x512xf32, #tpu.memory_space<vmem>> -> memref<1x32x512xf32, #tpu.memory_space<vmem>>
          %dma_start3A_286 = tpu.memref_squeeze %dma_start3A_285 : memref<1x32x512xf32, #tpu.memory_space<vmem>> -> memref<32x512xf32, #tpu.memory_space<vmem>>
          %dma_start3A_287 = arith.constant 0 : i32
          %dma_start3A_288 = tpu.memref_slice %arg4[%mul3A_270, %dma_start3A_287] : memref<512x512xf32, #tpu.memory_space<hbm>> -> memref<32x512xf32, #tpu.memory_space<hbm>>
          tpu.enqueue_dma source(%dma_start3A_288 : memref<32x512xf32, #tpu.memory_space<hbm>>) target(%dma_start3A_286 : memref<32x512xf32, #tpu.memory_space<vmem>>) target_semaphore(%dma_start3A_282 : memref<!tpu.dma_semaphore, #tpu.memory_space<semaphore_mem>>)
        } else {
        }
      } else {
      }
      %add3A_157 = arith.constant 1 : i32
      %add3A_158 = arith.addi %scan3A_128, %add3A_157 : i32
      %lt3A = arith.constant 64 : i32
      %lt3A_159 = arith.cmpi slt, %add3A_158, %lt3A : i32
      %convert_element_type3A_160 = arith.extui %lt3A_159 : i1 to i32
      %cond3A_161 = arith.constant 0 : i32
      %cond3A_162 = arith.cmpi ne, %convert_element_type3A_160, %cond3A_161 : i32
      scf.if %cond3A_162 {
        %add3A_240 = arith.constant 1 : i32
        %add3A_241 = arith.addi %scan3A_128, %add3A_240 : i32
        %jit3A_242 = arith.constant 4 : i32
        %div3A_243 = arith.divsi %add3A_241, %jit3A_242 : i32
        %sign3A_244 = arith.constant 0 : i32
        %sign3A_245 = arith.cmpi sgt, %add3A_241, %sign3A_244 : i32
        %sign3A_246 = arith.extui %sign3A_245 : i1 to i32
        %sign3A_247 = arith.constant 0 : i32
        %sign3A_248 = arith.cmpi slt, %add3A_241, %sign3A_247 : i32
        %sign3A_249 = arith.extui %sign3A_248 : i1 to i32
        %sign3A_250 = arith.subi %sign3A_246, %sign3A_249 : i32
        %sign3A_251 = arith.constant 0 : i32
        %sign3A_252 = arith.cmpi sgt, %jit3A_242, %sign3A_251 : i32
        %sign3A_253 = arith.extui %sign3A_252 : i1 to i32
        %sign3A_254 = arith.constant 0 : i32
        %sign3A_255 = arith.cmpi slt, %jit3A_242, %sign3A_254 : i32
        %sign3A_256 = arith.extui %sign3A_255 : i1 to i32
        %sign3A_257 = arith.subi %sign3A_253, %sign3A_256 : i32
        %ne3A_258 = arith.cmpi ne, %sign3A_250, %sign3A_257 : i32
        %rem3A_259 = arith.remsi %add3A_241, %jit3A_242 : i32
        %ne3A_260 = arith.constant 0 : i32
        %ne3A_261 = arith.cmpi ne, %rem3A_259, %ne3A_260 : i32
        %and3A_262 = arith.andi %ne3A_258, %ne3A_261 : i1
        %sub3A_263 = arith.constant 1 : i32
        %sub3A_264 = arith.subi %div3A_243, %sub3A_263 : i32
        %select_n3A_265 = arith.select %and3A_262, %sub3A_264, %div3A_243 : i32
        %rem3A_266 = arith.constant 4 : i32
        %rem3A_267 = arith.remsi %add3A_241, %rem3A_266 : i32
        %rem3A_268 = arith.constant 2 : i32
        %rem3A_269 = arith.remsi %add3A_241, %rem3A_268 : i32
        %mul3A_270 = arith.constant 512 : i32
        %mul3A_271 = arith.muli %rem3A_267, %mul3A_270 : i32
        %mul3A_272 = arith.constant 32 : i32
        %mul3A_273 = arith.muli %select_n3A_265, %mul3A_272 : i32
        %add3A_274 = arith.addi %mul3A_271, %mul3A_273 : i32
        %dma_start3A_275 = arith.constant 0 : i32
        %dma_start3A_276 = arith.constant 0 : i32
        %dma_start3A_277 = tpu.memref_slice %arg8[%rem3A_269, %dma_start3A_275, %dma_start3A_276] : memref<2x32x512xf32, #tpu.memory_space<vmem>> -> memref<1x32x512xf32, #tpu.memory_space<vmem>>
        %dma_start3A_278 = tpu.memref_squeeze %dma_start3A_277 : memref<1x32x512xf32, #tpu.memory_space<vmem>> -> memref<32x512xf32, #tpu.memory_space<vmem>>
        %dma_start3A_279 = tpu.memref_slice %arg7[%add3A_274] : memref<2048xi32, #tpu.memory_space<vmem>> -> memref<32xi32, #tpu.memory_space<vmem>>
        %dma_start3A_280 = arith.constant 0 : i32
        %dma_start3A_281 = arith.constant 0 : i32
        %dma_start3A_282 = tpu.memref_slice %arg3[%dma_start3A_280, %dma_start3A_281] : memref<64x512xf32, #tpu.memory_space<hbm>> -> memref<64x512xf32, #tpu.memory_space<hbm>>
        %dma_start3A_283 = tpu.memref_slice %arg10[%rem3A_269] : memref<2x!tpu.dma_semaphore, #tpu.memory_space<semaphore_mem>> -> memref<1x!tpu.dma_semaphore, #tpu.memory_space<semaphore_mem>>
        %dma_start3A_284 = tpu.memref_squeeze %dma_start3A_283 : memref<1x!tpu.dma_semaphore, #tpu.memory_space<semaphore_mem>> -> memref<!tpu.dma_semaphore, #tpu.memory_space<semaphore_mem>>
        tpu.enqueue_indirect_dma source(%dma_start3A_282 : memref<64x512xf32, #tpu.memory_space<hbm>>) target(%dma_start3A_278 : memref<32x512xf32, #tpu.memory_space<vmem>>) offsets(%dma_start3A_279 : memref<32xi32, #tpu.memory_space<vmem>>) semaphore(%dma_start3A_284 : memref<!tpu.dma_semaphore, #tpu.memory_space<semaphore_mem>>)
      } else {
      }
      %jit3A_163 = arith.constant 4 : i32
      %div3A_164 = arith.divsi %scan3A_128, %jit3A_163 : i32
      %sign3A_165 = arith.constant 0 : i32
      %sign3A_166 = arith.cmpi sgt, %scan3A_128, %sign3A_165 : i32
      %sign3A_167 = arith.extui %sign3A_166 : i1 to i32
      %sign3A_168 = arith.constant 0 : i32
      %sign3A_169 = arith.cmpi slt, %scan3A_128, %sign3A_168 : i32
      %sign3A_170 = arith.extui %sign3A_169 : i1 to i32
      %sign3A_171 = arith.subi %sign3A_167, %sign3A_170 : i32
      %sign3A_172 = arith.constant 0 : i32
      %sign3A_173 = arith.cmpi sgt, %jit3A_163, %sign3A_172 : i32
      %sign3A_174 = arith.extui %sign3A_173 : i1 to i32
      %sign3A_175 = arith.constant 0 : i32
      %sign3A_176 = arith.cmpi slt, %jit3A_163, %sign3A_175 : i32
      %sign3A_177 = arith.extui %sign3A_176 : i1 to i32
      %sign3A_178 = arith.subi %sign3A_174, %sign3A_177 : i32
      %ne3A_179 = arith.cmpi ne, %sign3A_171, %sign3A_178 : i32
      %rem3A_180 = arith.remsi %scan3A_128, %jit3A_163 : i32
      %ne3A_181 = arith.constant 0 : i32
      %ne3A_182 = arith.cmpi ne, %rem3A_180, %ne3A_181 : i32
      %and3A_183 = arith.andi %ne3A_179, %ne3A_182 : i1
      %sub3A_184 = arith.constant 1 : i32
      %sub3A_185 = arith.subi %div3A_164, %sub3A_184 : i32
      %select_n3A_186 = arith.select %and3A_183, %sub3A_185, %div3A_164 : i32
      %rem3A_187 = arith.constant 4 : i32
      %rem3A_188 = arith.remsi %scan3A_128, %rem3A_187 : i32
      %rem3A_189 = arith.constant 2 : i32
      %rem3A_190 = arith.remsi %scan3A_128, %rem3A_189 : i32
      %mul3A_191 = arith.constant 512 : i32
      %mul3A_192 = arith.muli %rem3A_188, %mul3A_191 : i32
      %mul3A_193 = arith.constant 32 : i32
      %mul3A_194 = arith.muli %select_n3A_186, %mul3A_193 : i32
      %add3A_195 = arith.addi %mul3A_192, %mul3A_194 : i32
      %dma_wait3A_196 = arith.constant 0 : i32
      %dma_wait3A_197 = arith.constant 0 : i32
      %dma_wait3A_198 = tpu.memref_slice %arg8[%rem3A_190, %dma_wait3A_196, %dma_wait3A_197] : memref<2x32x512xf32, #tpu.memory_space<vmem>> -> memref<1x32x512xf32, #tpu.memory_space<vmem>>
      %dma_wait3A_199 = tpu.memref_squeeze %dma_wait3A_198 : memref<1x32x512xf32, #tpu.memory_space<vmem>> -> memref<32x512xf32, #tpu.memory_space<vmem>>
      %dma_wait3A_200 = tpu.memref_slice %arg7[%add3A_195] : memref<2048xi32, #tpu.memory_space<vmem>> -> memref<32xi32, #tpu.memory_space<vmem>>
      %dma_wait3A_201 = arith.constant 0 : i32
      %dma_wait3A_202 = arith.constant 0 : i32
      %dma_wait3A_203 = tpu.memref_slice %arg3[%dma_wait3A_201, %dma_wait3A_202] : memref<64x512xf32, #tpu.memory_space<hbm>> -> memref<64x512xf32, #tpu.memory_space<hbm>>
      %dma_wait3A_204 = tpu.memref_slice %arg10[%rem3A_190] : memref<2x!tpu.dma_semaphore, #tpu.memory_space<semaphore_mem>> -> memref<1x!tpu.dma_semaphore, #tpu.memory_space<semaphore_mem>>
      %dma_wait3A_205 = tpu.memref_squeeze %dma_wait3A_204 : memref<1x!tpu.dma_semaphore, #tpu.memory_space<semaphore_mem>> -> memref<!tpu.dma_semaphore, #tpu.memory_space<semaphore_mem>>
      tpu.wait_indirect_dma semaphore(%dma_wait3A_205 : memref<!tpu.dma_semaphore, #tpu.memory_space<semaphore_mem>>) src(%dma_wait3A_203 : memref<64x512xf32, #tpu.memory_space<hbm>>) dst(%dma_wait3A_199 : memref<32x512xf32, #tpu.memory_space<vmem>>)
      %rem3A_206 = arith.constant 2 : i32
      %rem3A_207 = arith.remsi %select_n3A, %rem3A_206 : i32
      %parallel_loop3A = arith.constant 0 : i32
      %parallel_loop3A_208 = arith.constant 32 : i32
      %parallel_loop3A_209 = arith.constant 1 : i32
      scf.for %parallel_loop3A_240 = %parallel_loop3A to %parallel_loop3A_208 step %parallel_loop3A_209  : i32 {
        %parallel_loop3A_241 = arith.index_cast %rem3A_207 : i32 to index
        %parallel_loop3A_242 = arith.index_cast %parallel_loop3A_240 : i32 to index
        %parallel_loop3A_243 = arith.constant 0 : index
        %parallel_loop3A_244 = tpu.vector_load %arg6[%parallel_loop3A_241, %parallel_loop3A_242, %parallel_loop3A_243] {strides = array<i32>} : memref<2x32x512xf32, #tpu.memory_space<vmem>>, vector<1x1x16xf32>,
        %parallel_loop3A_245 = vector.shape_cast %parallel_loop3A_244 : vector<1x1x16xf32> to vector<16xf32>
        %parallel_loop3A_246 = arith.index_cast %rem3A_148 : i32 to index
        %parallel_loop3A_247 = arith.index_cast %parallel_loop3A_240 : i32 to index
        %parallel_loop3A_248 = arith.constant 0 : index
        %parallel_loop3A_249 = tpu.vector_load %arg8[%parallel_loop3A_246, %parallel_loop3A_247, %parallel_loop3A_248] {strides = array<i32>} : memref<2x32x512xf32, #tpu.memory_space<vmem>>, vector<1x1x16xf32>,
        %parallel_loop3A_250 = vector.shape_cast %parallel_loop3A_249 : vector<1x1x16xf32> to vector<16xf32>
        %parallel_loop3A_251 = vector.shape_cast %parallel_loop3A_245 : vector<16xf32> to vector<1x1x16xf32>
        tpu.vector_store %arg8[%parallel_loop3A_246, %parallel_loop3A_247, %parallel_loop3A_248], %parallel_loop3A_251 {add = true, strides = array<i32>} : memref<2x32x512xf32, #tpu.memory_space<vmem>>, vector<1x1x16xf32>,
        %parallel_loop3A_252 = arith.index_cast %rem3A_207 : i32 to index
        %parallel_loop3A_253 = arith.index_cast %parallel_loop3A_240 : i32 to index
        %parallel_loop3A_254 = arith.constant 16 : index
        %parallel_loop3A_255 = tpu.vector_load %arg6[%parallel_loop3A_252, %parallel_loop3A_253, %parallel_loop3A_254] {strides = array<i32>} : memref<2x32x512xf32, #tpu.memory_space<vmem>>, vector<1x1x16xf32>,
        %parallel_loop3A_256 = vector.shape_cast %parallel_loop3A_255 : vector<1x1x16xf32> to vector<16xf32>
        %parallel_loop3A_257 = arith.index_cast %rem3A_148 : i32 to index
        %parallel_loop3A_258 = arith.index_cast %parallel_loop3A_240 : i32 to index
        %parallel_loop3A_259 = arith.constant 16 : index
        %parallel_loop3A_260 = tpu.vector_load %arg8[%parallel_loop3A_257, %parallel_loop3A_258, %parallel_loop3A_259] {strides = array<i32>} : memref<2x32x512xf32, #tpu.memory_space<vmem>>, vector<1x1x16xf32>,
        %parallel_loop3A_261 = vector.shape_cast %parallel_loop3A_260 : vector<1x1x16xf32> to vector<16xf32>
        %parallel_loop3A_262 = vector.shape_cast %parallel_loop3A_256 : vector<16xf32> to vector<1x1x16xf32>
        tpu.vector_store %arg8[%parallel_loop3A_257, %parallel_loop3A_258, %parallel_loop3A_259], %parallel_loop3A_262 {add = true, strides = array<i32>} : memref<2x32x512xf32, #tpu.memory_space<vmem>>, vector<1x1x16xf32>,
        %parallel_loop3A_263 = arith.index_cast %rem3A_207 : i32 to index
        %parallel_loop3A_264 = arith.index_cast %parallel_loop3A_240 : i32 to index
        %parallel_loop3A_265 = arith.constant 32 : index
        %parallel_loop3A_266 = tpu.vector_load %arg6[%parallel_loop3A_263, %parallel_loop3A_264, %parallel_loop3A_265] {strides = array<i32>} : memref<2x32x512xf32, #tpu.memory_space<vmem>>, vector<1x1x16xf32>,
        %parallel_loop3A_267 = vector.shape_cast %parallel_loop3A_266 : vector<1x1x16xf32> to vector<16xf32>
        %parallel_loop3A_268 = arith.index_cast %rem3A_148 : i32 to index
        %parallel_loop3A_269 = arith.index_cast %parallel_loop3A_240 : i32 to index
        %parallel_loop3A_270 = arith.constant 32 : index
        %parallel_loop3A_271 = tpu.vector_load %arg8[%parallel_loop3A_268, %parallel_loop3A_269, %parallel_loop3A_270] {strides = array<i32>} : memref<2x32x512xf32, #tpu.memory_space<vmem>>, vector<1x1x16xf32>,
        %parallel_loop3A_272 = vector.shape_cast %parallel_loop3A_271 : vector<1x1x16xf32> to vector<16xf32>
        %parallel_loop3A_273 = vector.shape_cast %parallel_loop3A_267 : vector<16xf32> to vector<1x1x16xf32>
        tpu.vector_store %arg8[%parallel_loop3A_268, %parallel_loop3A_269, %parallel_loop3A_270], %parallel_loop3A_273 {add = true, strides = array<i32>} : memref<2x32x512xf32, #tpu.memory_space<vmem>>, vector<1x1x16xf32>,
        %parallel_loop3A_274 = arith.index_cast %rem3A_207 : i32 to index
        %parallel_loop3A_275 = arith.index_cast %parallel_loop3A_240 : i32 to index
        %parallel_loop3A_276 = arith.constant 48 : index
        %parallel_loop3A_277 = tpu.vector_load %arg6[%parallel_loop3A_274, %parallel_loop3A_275, %parallel_loop3A_276] {strides = array<i32>} : memref<2x32x512xf32, #tpu.memory_space<vmem>>, vector<1x1x16xf32>,
        %parallel_loop3A_278 = vector.shape_cast %parallel_loop3A_277 : vector<1x1x16xf32> to vector<16xf32>
        %parallel_loop3A_279 = arith.index_cast %rem3A_148 : i32 to index
        %parallel_loop3A_280 = arith.index_cast %parallel_loop3A_240 : i32 to index
        %parallel_loop3A_281 = arith.constant 48 : index
        %parallel_loop3A_282 = tpu.vector_load %arg8[%parallel_loop3A_279, %parallel_loop3A_280, %parallel_loop3A_281] {strides = array<i32>} : memref<2x32x512xf32, #tpu.memory_space<vmem>>, vector<1x1x16xf32>,
        %parallel_loop3A_283 = vector.shape_cast %parallel_loop3A_282 : vector<1x1x16xf32> to vector<16xf32>
        %parallel_loop3A_284 = vector.shape_cast %parallel_loop3A_278 : vector<16xf32> to vector<1x1x16xf32>
        tpu.vector_store %arg8[%parallel_loop3A_279, %parallel_loop3A_280, %parallel_loop3A_281], %parallel_loop3A_284 {add = true, strides = array<i32>} : memref<2x32x512xf32, #tpu.memory_space<vmem>>, vector<1x1x16xf32>,
        %parallel_loop3A_285 = arith.index_cast %rem3A_207 : i32 to index
        %parallel_loop3A_286 = arith.index_cast %parallel_loop3A_240 : i32 to index
        %parallel_loop3A_287 = arith.constant 64 : index
        %parallel_loop3A_288 = tpu.vector_load %arg6[%parallel_loop3A_285, %parallel_loop3A_286, %parallel_loop3A_287] {strides = array<i32>} : memref<2x32x512xf32, #tpu.memory_space<vmem>>, vector<1x1x16xf32>,
        %parallel_loop3A_289 = vector.shape_cast %parallel_loop3A_288 : vector<1x1x16xf32> to vector<16xf32>
        %parallel_loop3A_290 = arith.index_cast %rem3A_148 : i32 to index
        %parallel_loop3A_291 = arith.index_cast %parallel_loop3A_240 : i32 to index
        %parallel_loop3A_292 = arith.constant 64 : index
        %parallel_loop3A_293 = tpu.vector_load %arg8[%parallel_loop3A_290, %parallel_loop3A_291, %parallel_loop3A_292] {strides = array<i32>} : memref<2x32x512xf32, #tpu.memory_space<vmem>>, vector<1x1x16xf32>,
        %parallel_loop3A_294 = vector.shape_cast %parallel_loop3A_293 : vector<1x1x16xf32> to vector<16xf32>
        %parallel_loop3A_295 = vector.shape_cast %parallel_loop3A_289 : vector<16xf32> to vector<1x1x16xf32>
        tpu.vector_store %arg8[%parallel_loop3A_290, %parallel_loop3A_291, %parallel_loop3A_292], %parallel_loop3A_295 {add = true, strides = array<i32>} : memref<2x32x512xf32, #tpu.memory_space<vmem>>, vector<1x1x16xf32>,
        %parallel_loop3A_296 = arith.index_cast %rem3A_207 : i32 to index
        %parallel_loop3A_297 = arith.index_cast %parallel_loop3A_240 : i32 to index
        %parallel_loop3A_298 = arith.constant 80 : index
        %parallel_loop3A_299 = tpu.vector_load %arg6[%parallel_loop3A_296, %parallel_loop3A_297, %parallel_loop3A_298] {strides = array<i32>} : memref<2x32x512xf32, #tpu.memory_space<vmem>>, vector<1x1x16xf32>,
        %parallel_loop3A_300 = vector.shape_cast %parallel_loop3A_299 : vector<1x1x16xf32> to vector<16xf32>
        %parallel_loop3A_301 = arith.index_cast %rem3A_148 : i32 to index
        %parallel_loop3A_302 = arith.index_cast %parallel_loop3A_240 : i32 to index
        %parallel_loop3A_303 = arith.constant 80 : index
        %parallel_loop3A_304 = tpu.vector_load %arg8[%parallel_loop3A_301, %parallel_loop3A_302, %parallel_loop3A_303] {strides = array<i32>} : memref<2x32x512xf32, #tpu.memory_space<vmem>>, vector<1x1x16xf32>,
        %parallel_loop3A_305 = vector.shape_cast %parallel_loop3A_304 : vector<1x1x16xf32> to vector<16xf32>
        %parallel_loop3A_306 = vector.shape_cast %parallel_loop3A_300 : vector<16xf32> to vector<1x1x16xf32>
        tpu.vector_store %arg8[%parallel_loop3A_301, %parallel_loop3A_302, %parallel_loop3A_303], %parallel_loop3A_306 {add = true, strides = array<i32>} : memref<2x32x512xf32, #tpu.memory_space<vmem>>, vector<1x1x16xf32>,
        %parallel_loop3A_307 = arith.index_cast %rem3A_207 : i32 to index
        %parallel_loop3A_308 = arith.index_cast %parallel_loop3A_240 : i32 to index
        %parallel_loop3A_309 = arith.constant 96 : index
        %parallel_loop3A_310 = tpu.vector_load %arg6[%parallel_loop3A_307, %parallel_loop3A_308, %parallel_loop3A_309] {strides = array<i32>} : memref<2x32x512xf32, #tpu.memory_space<vmem>>, vector<1x1x16xf32>,
        %parallel_loop3A_311 = vector.shape_cast %parallel_loop3A_310 : vector<1x1x16xf32> to vector<16xf32>
        %parallel_loop3A_312 = arith.index_cast %rem3A_148 : i32 to index
        %parallel_loop3A_313 = arith.index_cast %parallel_loop3A_240 : i32 to index
        %parallel_loop3A_314 = arith.constant 96 : index
        %parallel_loop3A_315 = tpu.vector_load %arg8[%parallel_loop3A_312, %parallel_loop3A_313, %parallel_loop3A_314] {strides = array<i32>} : memref<2x32x512xf32, #tpu.memory_space<vmem>>, vector<1x1x16xf32>,
        %parallel_loop3A_316 = vector.shape_cast %parallel_loop3A_315 : vector<1x1x16xf32> to vector<16xf32>
        %parallel_loop3A_317 = vector.shape_cast %parallel_loop3A_311 : vector<16xf32> to vector<1x1x16xf32>
        tpu.vector_store %arg8[%parallel_loop3A_312, %parallel_loop3A_313, %parallel_loop3A_314], %parallel_loop3A_317 {add = true, strides = array<i32>} : memref<2x32x512xf32, #tpu.memory_space<vmem>>, vector<1x1x16xf32>,
        %parallel_loop3A_318 = arith.index_cast %rem3A_207 : i32 to index
        %parallel_loop3A_319 = arith.index_cast %parallel_loop3A_240 : i32 to index
        %parallel_loop3A_320 = arith.constant 112 : index
        %parallel_loop3A_321 = tpu.vector_load %arg6[%parallel_loop3A_318, %parallel_loop3A_319, %parallel_loop3A_320] {strides = array<i32>} : memref<2x32x512xf32, #tpu.memory_space<vmem>>, vector<1x1x16xf32>,
        %parallel_loop3A_322 = vector.shape_cast %parallel_loop3A_321 : vector<1x1x16xf32> to vector<16xf32>
        %parallel_loop3A_323 = arith.index_cast %rem3A_148 : i32 to index
        %parallel_loop3A_324 = arith.index_cast %parallel_loop3A_240 : i32 to index
        %parallel_loop3A_325 = arith.constant 112 : index
        %parallel_loop3A_326 = tpu.vector_load %arg8[%parallel_loop3A_323, %parallel_loop3A_324, %parallel_loop3A_325] {strides = array<i32>} : memref<2x32x512xf32, #tpu.memory_space<vmem>>, vector<1x1x16xf32>,
        %parallel_loop3A_327 = vector.shape_cast %parallel_loop3A_326 : vector<1x1x16xf32> to vector<16xf32>
        %parallel_loop3A_328 = vector.shape_cast %parallel_loop3A_322 : vector<16xf32> to vector<1x1x16xf32>
        tpu.vector_store %arg8[%parallel_loop3A_323, %parallel_loop3A_324, %parallel_loop3A_325], %parallel_loop3A_328 {add = true, strides = array<i32>} : memref<2x32x512xf32, #tpu.memory_space<vmem>>, vector<1x1x16xf32>,
        %parallel_loop3A_329 = arith.index_cast %rem3A_207 : i32 to index
        %parallel_loop3A_330 = arith.index_cast %parallel_loop3A_240 : i32 to index
        %parallel_loop3A_331 = arith.constant 128 : index
        %parallel_loop3A_332 = tpu.vector_load %arg6[%parallel_loop3A_329, %parallel_loop3A_330, %parallel_loop3A_331] {strides = array<i32>} : memref<2x32x512xf32, #tpu.memory_space<vmem>>, vector<1x1x16xf32>,
        %parallel_loop3A_333 = vector.shape_cast %parallel_loop3A_332 : vector<1x1x16xf32> to vector<16xf32>
        %parallel_loop3A_334 = arith.index_cast %rem3A_148 : i32 to index
        %parallel_loop3A_335 = arith.index_cast %parallel_loop3A_240 : i32 to index
        %parallel_loop3A_336 = arith.constant 128 : index
        %parallel_loop3A_337 = tpu.vector_load %arg8[%parallel_loop3A_334, %parallel_loop3A_335, %parallel_loop3A_336] {strides = array<i32>} : memref<2x32x512xf32, #tpu.memory_space<vmem>>, vector<1x1x16xf32>,
        %parallel_loop3A_338 = vector.shape_cast %parallel_loop3A_337 : vector<1x1x16xf32> to vector<16xf32>
        %parallel_loop3A_339 = vector.shape_cast %parallel_loop3A_333 : vector<16xf32> to vector<1x1x16xf32>
        tpu.vector_store %arg8[%parallel_loop3A_334, %parallel_loop3A_335, %parallel_loop3A_336], %parallel_loop3A_339 {add = true, strides = array<i32>} : memref<2x32x512xf32, #tpu.memory_space<vmem>>, vector<1x1x16xf32>,
        %parallel_loop3A_340 = arith.index_cast %rem3A_207 : i32 to index
        %parallel_loop3A_341 = arith.index_cast %parallel_loop3A_240 : i32 to index
        %parallel_loop3A_342 = arith.constant 144 : index
        %parallel_loop3A_343 = tpu.vector_load %arg6[%parallel_loop3A_340, %parallel_loop3A_341, %parallel_loop3A_342] {strides = array<i32>} : memref<2x32x512xf32, #tpu.memory_space<vmem>>, vector<1x1x16xf32>,
        %parallel_loop3A_344 = vector.shape_cast %parallel_loop3A_343 : vector<1x1x16xf32> to vector<16xf32>
        %parallel_loop3A_345 = arith.index_cast %rem3A_148 : i32 to index
        %parallel_loop3A_346 = arith.index_cast %parallel_loop3A_240 : i32 to index
        %parallel_loop3A_347 = arith.constant 144 : index
        %parallel_loop3A_348 = tpu.vector_load %arg8[%parallel_loop3A_345, %parallel_loop3A_346, %parallel_loop3A_347] {strides = array<i32>} : memref<2x32x512xf32, #tpu.memory_space<vmem>>, vector<1x1x16xf32>,
        %parallel_loop3A_349 = vector.shape_cast %parallel_loop3A_348 : vector<1x1x16xf32> to vector<16xf32>
        %parallel_loop3A_350 = vector.shape_cast %parallel_loop3A_344 : vector<16xf32> to vector<1x1x16xf32>
        tpu.vector_store %arg8[%parallel_loop3A_345, %parallel_loop3A_346, %parallel_loop3A_347], %parallel_loop3A_350 {add = true, strides = array<i32>} : memref<2x32x512xf32, #tpu.memory_space<vmem>>, vector<1x1x16xf32>,
        %parallel_loop3A_351 = arith.index_cast %rem3A_207 : i32 to index
        %parallel_loop3A_352 = arith.index_cast %parallel_loop3A_240 : i32 to index
        %parallel_loop3A_353 = arith.constant 160 : index
        %parallel_loop3A_354 = tpu.vector_load %arg6[%parallel_loop3A_351, %parallel_loop3A_352, %parallel_loop3A_353] {strides = array<i32>} : memref<2x32x512xf32, #tpu.memory_space<vmem>>, vector<1x1x16xf32>,
        %parallel_loop3A_355 = vector.shape_cast %parallel_loop3A_354 : vector<1x1x16xf32> to vector<16xf32>
        %parallel_loop3A_356 = arith.index_cast %rem3A_148 : i32 to index
        %parallel_loop3A_357 = arith.index_cast %parallel_loop3A_240 : i32 to index
        %parallel_loop3A_358 = arith.constant 160 : index
        %parallel_loop3A_359 = tpu.vector_load %arg8[%parallel_loop3A_356, %parallel_loop3A_357, %parallel_loop3A_358] {strides = array<i32>} : memref<2x32x512xf32, #tpu.memory_space<vmem>>, vector<1x1x16xf32>,
        %parallel_loop3A_360 = vector.shape_cast %parallel_loop3A_359 : vector<1x1x16xf32> to vector<16xf32>
        %parallel_loop3A_361 = vector.shape_cast %parallel_loop3A_355 : vector<16xf32> to vector<1x1x16xf32>
        tpu.vector_store %arg8[%parallel_loop3A_356, %parallel_loop3A_357, %parallel_loop3A_358], %parallel_loop3A_361 {add = true, strides = array<i32>} : memref<2x32x512xf32, #tpu.memory_space<vmem>>, vector<1x1x16xf32>,
        %parallel_loop3A_362 = arith.index_cast %rem3A_207 : i32 to index
        %parallel_loop3A_363 = arith.index_cast %parallel_loop3A_240 : i32 to index
        %parallel_loop3A_364 = arith.constant 176 : index
        %parallel_loop3A_365 = tpu.vector_load %arg6[%parallel_loop3A_362, %parallel_loop3A_363, %parallel_loop3A_364] {strides = array<i32>} : memref<2x32x512xf32, #tpu.memory_space<vmem>>, vector<1x1x16xf32>,
        %parallel_loop3A_366 = vector.shape_cast %parallel_loop3A_365 : vector<1x1x16xf32> to vector<16xf32>
        %parallel_loop3A_367 = arith.index_cast %rem3A_148 : i32 to index
        %parallel_loop3A_368 = arith.index_cast %parallel_loop3A_240 : i32 to index
        %parallel_loop3A_369 = arith.constant 176 : index
        %parallel_loop3A_370 = tpu.vector_load %arg8[%parallel_loop3A_367, %parallel_loop3A_368, %parallel_loop3A_369] {strides = array<i32>} : memref<2x32x512xf32, #tpu.memory_space<vmem>>, vector<1x1x16xf32>,
        %parallel_loop3A_371 = vector.shape_cast %parallel_loop3A_370 : vector<1x1x16xf32> to vector<16xf32>
        %parallel_loop3A_372 = vector.shape_cast %parallel_loop3A_366 : vector<16xf32> to vector<1x1x16xf32>
        tpu.vector_store %arg8[%parallel_loop3A_367, %parallel_loop3A_368, %parallel_loop3A_369], %parallel_loop3A_372 {add = true, strides = array<i32>} : memref<2x32x512xf32, #tpu.memory_space<vmem>>, vector<1x1x16xf32>,
        %parallel_loop3A_373 = arith.index_cast %rem3A_207 : i32 to index
        %parallel_loop3A_374 = arith.index_cast %parallel_loop3A_240 : i32 to index
        %parallel_loop3A_375 = arith.constant 192 : index
        %parallel_loop3A_376 = tpu.vector_load %arg6[%parallel_loop3A_373, %parallel_loop3A_374, %parallel_loop3A_375] {strides = array<i32>} : memref<2x32x512xf32, #tpu.memory_space<vmem>>, vector<1x1x16xf32>,
        %parallel_loop3A_377 = vector.shape_cast %parallel_loop3A_376 : vector<1x1x16xf32> to vector<16xf32>
        %parallel_loop3A_378 = arith.index_cast %rem3A_148 : i32 to index
        %parallel_loop3A_379 = arith.index_cast %parallel_loop3A_240 : i32 to index
        %parallel_loop3A_380 = arith.constant 192 : index
        %parallel_loop3A_381 = tpu.vector_load %arg8[%parallel_loop3A_378, %parallel_loop3A_379, %parallel_loop3A_380] {strides = array<i32>} : memref<2x32x512xf32, #tpu.memory_space<vmem>>, vector<1x1x16xf32>,
        %parallel_loop3A_382 = vector.shape_cast %parallel_loop3A_381 : vector<1x1x16xf32> to vector<16xf32>
        %parallel_loop3A_383 = vector.shape_cast %parallel_loop3A_377 : vector<16xf32> to vector<1x1x16xf32>
        tpu.vector_store %arg8[%parallel_loop3A_378, %parallel_loop3A_379, %parallel_loop3A_380], %parallel_loop3A_383 {add = true, strides = array<i32>} : memref<2x32x512xf32, #tpu.memory_space<vmem>>, vector<1x1x16xf32>,
        %parallel_loop3A_384 = arith.index_cast %rem3A_207 : i32 to index
        %parallel_loop3A_385 = arith.index_cast %parallel_loop3A_240 : i32 to index
        %parallel_loop3A_386 = arith.constant 208 : index
        %parallel_loop3A_387 = tpu.vector_load %arg6[%parallel_loop3A_384, %parallel_loop3A_385, %parallel_loop3A_386] {strides = array<i32>} : memref<2x32x512xf32, #tpu.memory_space<vmem>>, vector<1x1x16xf32>,
        %parallel_loop3A_388 = vector.shape_cast %parallel_loop3A_387 : vector<1x1x16xf32> to vector<16xf32>
        %parallel_loop3A_389 = arith.index_cast %rem3A_148 : i32 to index
        %parallel_loop3A_390 = arith.index_cast %parallel_loop3A_240 : i32 to index
        %parallel_loop3A_391 = arith.constant 208 : index
        %parallel_loop3A_392 = tpu.vector_load %arg8[%parallel_loop3A_389, %parallel_loop3A_390, %parallel_loop3A_391] {strides = array<i32>} : memref<2x32x512xf32, #tpu.memory_space<vmem>>, vector<1x1x16xf32>,
        %parallel_loop3A_393 = vector.shape_cast %parallel_loop3A_392 : vector<1x1x16xf32> to vector<16xf32>
        %parallel_loop3A_394 = vector.shape_cast %parallel_loop3A_388 : vector<16xf32> to vector<1x1x16xf32>
        tpu.vector_store %arg8[%parallel_loop3A_389, %parallel_loop3A_390, %parallel_loop3A_391], %parallel_loop3A_394 {add = true, strides = array<i32>} : memref<2x32x512xf32, #tpu.memory_space<vmem>>, vector<1x1x16xf32>,
        %parallel_loop3A_395 = arith.index_cast %rem3A_207 : i32 to index
        %parallel_loop3A_396 = arith.index_cast %parallel_loop3A_240 : i32 to index
        %parallel_loop3A_397 = arith.constant 224 : index
        %parallel_loop3A_398 = tpu.vector_load %arg6[%parallel_loop3A_395, %parallel_loop3A_396, %parallel_loop3A_397] {strides = array<i32>} : memref<2x32x512xf32, #tpu.memory_space<vmem>>, vector<1x1x16xf32>,
        %parallel_loop3A_399 = vector.shape_cast %parallel_loop3A_398 : vector<1x1x16xf32> to vector<16xf32>
        %parallel_loop3A_400 = arith.index_cast %rem3A_148 : i32 to index
        %parallel_loop3A_401 = arith.index_cast %parallel_loop3A_240 : i32 to index
        %parallel_loop3A_402 = arith.constant 224 : index
        %parallel_loop3A_403 = tpu.vector_load %arg8[%parallel_loop3A_400, %parallel_loop3A_401, %parallel_loop3A_402] {strides = array<i32>} : memref<2x32x512xf32, #tpu.memory_space<vmem>>, vector<1x1x16xf32>,
        %parallel_loop3A_404 = vector.shape_cast %parallel_loop3A_403 : vector<1x1x16xf32> to vector<16xf32>
        %parallel_loop3A_405 = vector.shape_cast %parallel_loop3A_399 : vector<16xf32> to vector<1x1x16xf32>
        tpu.vector_store %arg8[%parallel_loop3A_400, %parallel_loop3A_401, %parallel_loop3A_402], %parallel_loop3A_405 {add = true, strides = array<i32>} : memref<2x32x512xf32, #tpu.memory_space<vmem>>, vector<1x1x16xf32>,
        %parallel_loop3A_406 = arith.index_cast %rem3A_207 : i32 to index
        %parallel_loop3A_407 = arith.index_cast %parallel_loop3A_240 : i32 to index
        %parallel_loop3A_408 = arith.constant 240 : index
        %parallel_loop3A_409 = tpu.vector_load %arg6[%parallel_loop3A_406, %parallel_loop3A_407, %parallel_loop3A_408] {strides = array<i32>} : memref<2x32x512xf32, #tpu.memory_space<vmem>>, vector<1x1x16xf32>,
        %parallel_loop3A_410 = vector.shape_cast %parallel_loop3A_409 : vector<1x1x16xf32> to vector<16xf32>
        %parallel_loop3A_411 = arith.index_cast %rem3A_148 : i32 to index
        %parallel_loop3A_412 = arith.index_cast %parallel_loop3A_240 : i32 to index
        %parallel_loop3A_413 = arith.constant 240 : index
        %parallel_loop3A_414 = tpu.vector_load %arg8[%parallel_loop3A_411, %parallel_loop3A_412, %parallel_loop3A_413] {strides = array<i32>} : memref<2x32x512xf32, #tpu.memory_space<vmem>>, vector<1x1x16xf32>,
        %parallel_loop3A_415 = vector.shape_cast %parallel_loop3A_414 : vector<1x1x16xf32> to vector<16xf32>
        %parallel_loop3A_416 = vector.shape_cast %parallel_loop3A_410 : vector<16xf32> to vector<1x1x16xf32>
        tpu.vector_store %arg8[%parallel_loop3A_411, %parallel_loop3A_412, %parallel_loop3A_413], %parallel_loop3A_416 {add = true, strides = array<i32>} : memref<2x32x512xf32, #tpu.memory_space<vmem>>, vector<1x1x16xf32>,
        %parallel_loop3A_417 = arith.index_cast %rem3A_207 : i32 to index
        %parallel_loop3A_418 = arith.index_cast %parallel_loop3A_240 : i32 to index
        %parallel_loop3A_419 = arith.constant 256 : index
        %parallel_loop3A_420 = tpu.vector_load %arg6[%parallel_loop3A_417, %parallel_loop3A_418, %parallel_loop3A_419] {strides = array<i32>} : memref<2x32x512xf32, #tpu.memory_space<vmem>>, vector<1x1x16xf32>,
        %parallel_loop3A_421 = vector.shape_cast %parallel_loop3A_420 : vector<1x1x16xf32> to vector<16xf32>
        %parallel_loop3A_422 = arith.index_cast %rem3A_148 : i32 to index
        %parallel_loop3A_423 = arith.index_cast %parallel_loop3A_240 : i32 to index
        %parallel_loop3A_424 = arith.constant 256 : index
        %parallel_loop3A_425 = tpu.vector_load %arg8[%parallel_loop3A_422, %parallel_loop3A_423, %parallel_loop3A_424] {strides = array<i32>} : memref<2x32x512xf32, #tpu.memory_space<vmem>>, vector<1x1x16xf32>,
        %parallel_loop3A_426 = vector.shape_cast %parallel_loop3A_425 : vector<1x1x16xf32> to vector<16xf32>
        %parallel_loop3A_427 = vector.shape_cast %parallel_loop3A_421 : vector<16xf32> to vector<1x1x16xf32>
        tpu.vector_store %arg8[%parallel_loop3A_422, %parallel_loop3A_423, %parallel_loop3A_424], %parallel_loop3A_427 {add = true, strides = array<i32>} : memref<2x32x512xf32, #tpu.memory_space<vmem>>, vector<1x1x16xf32>,
        %parallel_loop3A_428 = arith.index_cast %rem3A_207 : i32 to index
        %parallel_loop3A_429 = arith.index_cast %parallel_loop3A_240 : i32 to index
        %parallel_loop3A_430 = arith.constant 272 : index
        %parallel_loop3A_431 = tpu.vector_load %arg6[%parallel_loop3A_428, %parallel_loop3A_429, %parallel_loop3A_430] {strides = array<i32>} : memref<2x32x512xf32, #tpu.memory_space<vmem>>, vector<1x1x16xf32>,
        %parallel_loop3A_432 = vector.shape_cast %parallel_loop3A_431 : vector<1x1x16xf32> to vector<16xf32>
        %parallel_loop3A_433 = arith.index_cast %rem3A_148 : i32 to index
        %parallel_loop3A_434 = arith.index_cast %parallel_loop3A_240 : i32 to index
        %parallel_loop3A_435 = arith.constant 272 : index
        %parallel_loop3A_436 = tpu.vector_load %arg8[%parallel_loop3A_433, %parallel_loop3A_434, %parallel_loop3A_435] {strides = array<i32>} : memref<2x32x512xf32, #tpu.memory_space<vmem>>, vector<1x1x16xf32>,
        %parallel_loop3A_437 = vector.shape_cast %parallel_loop3A_436 : vector<1x1x16xf32> to vector<16xf32>
        %parallel_loop3A_438 = vector.shape_cast %parallel_loop3A_432 : vector<16xf32> to vector<1x1x16xf32>
        tpu.vector_store %arg8[%parallel_loop3A_433, %parallel_loop3A_434, %parallel_loop3A_435], %parallel_loop3A_438 {add = true, strides = array<i32>} : memref<2x32x512xf32, #tpu.memory_space<vmem>>, vector<1x1x16xf32>,
        %parallel_loop3A_439 = arith.index_cast %rem3A_207 : i32 to index
        %parallel_loop3A_440 = arith.index_cast %parallel_loop3A_240 : i32 to index
        %parallel_loop3A_441 = arith.constant 288 : index
        %parallel_loop3A_442 = tpu.vector_load %arg6[%parallel_loop3A_439, %parallel_loop3A_440, %parallel_loop3A_441] {strides = array<i32>} : memref<2x32x512xf32, #tpu.memory_space<vmem>>, vector<1x1x16xf32>,
        %parallel_loop3A_443 = vector.shape_cast %parallel_loop3A_442 : vector<1x1x16xf32> to vector<16xf32>
        %parallel_loop3A_444 = arith.index_cast %rem3A_148 : i32 to index
        %parallel_loop3A_445 = arith.index_cast %parallel_loop3A_240 : i32 to index
        %parallel_loop3A_446 = arith.constant 288 : index
        %parallel_loop3A_447 = tpu.vector_load %arg8[%parallel_loop3A_444, %parallel_loop3A_445, %parallel_loop3A_446] {strides = array<i32>} : memref<2x32x512xf32, #tpu.memory_space<vmem>>, vector<1x1x16xf32>,
        %parallel_loop3A_448 = vector.shape_cast %parallel_loop3A_447 : vector<1x1x16xf32> to vector<16xf32>
        %parallel_loop3A_449 = vector.shape_cast %parallel_loop3A_443 : vector<16xf32> to vector<1x1x16xf32>
        tpu.vector_store %arg8[%parallel_loop3A_444, %parallel_loop3A_445, %parallel_loop3A_446], %parallel_loop3A_449 {add = true, strides = array<i32>} : memref<2x32x512xf32, #tpu.memory_space<vmem>>, vector<1x1x16xf32>,
        %parallel_loop3A_450 = arith.index_cast %rem3A_207 : i32 to index
        %parallel_loop3A_451 = arith.index_cast %parallel_loop3A_240 : i32 to index
        %parallel_loop3A_452 = arith.constant 304 : index
        %parallel_loop3A_453 = tpu.vector_load %arg6[%parallel_loop3A_450, %parallel_loop3A_451, %parallel_loop3A_452] {strides = array<i32>} : memref<2x32x512xf32, #tpu.memory_space<vmem>>, vector<1x1x16xf32>,
        %parallel_loop3A_454 = vector.shape_cast %parallel_loop3A_453 : vector<1x1x16xf32> to vector<16xf32>
        %parallel_loop3A_455 = arith.index_cast %rem3A_148 : i32 to index
        %parallel_loop3A_456 = arith.index_cast %parallel_loop3A_240 : i32 to index
        %parallel_loop3A_457 = arith.constant 304 : index
        %parallel_loop3A_458 = tpu.vector_load %arg8[%parallel_loop3A_455, %parallel_loop3A_456, %parallel_loop3A_457] {strides = array<i32>} : memref<2x32x512xf32, #tpu.memory_space<vmem>>, vector<1x1x16xf32>,
        %parallel_loop3A_459 = vector.shape_cast %parallel_loop3A_458 : vector<1x1x16xf32> to vector<16xf32>
        %parallel_loop3A_460 = vector.shape_cast %parallel_loop3A_454 : vector<16xf32> to vector<1x1x16xf32>
        tpu.vector_store %arg8[%parallel_loop3A_455, %parallel_loop3A_456, %parallel_loop3A_457], %parallel_loop3A_460 {add = true, strides = array<i32>} : memref<2x32x512xf32, #tpu.memory_space<vmem>>, vector<1x1x16xf32>,
        %parallel_loop3A_461 = arith.index_cast %rem3A_207 : i32 to index
        %parallel_loop3A_462 = arith.index_cast %parallel_loop3A_240 : i32 to index
        %parallel_loop3A_463 = arith.constant 320 : index
        %parallel_loop3A_464 = tpu.vector_load %arg6[%parallel_loop3A_461, %parallel_loop3A_462, %parallel_loop3A_463] {strides = array<i32>} : memref<2x32x512xf32, #tpu.memory_space<vmem>>, vector<1x1x16xf32>,
        %parallel_loop3A_465 = vector.shape_cast %parallel_loop3A_464 : vector<1x1x16xf32> to vector<16xf32>
        %parallel_loop3A_466 = arith.index_cast %rem3A_148 : i32 to index
        %parallel_loop3A_467 = arith.index_cast %parallel_loop3A_240 : i32 to index
        %parallel_loop3A_468 = arith.constant 320 : index
        %parallel_loop3A_469 = tpu.vector_load %arg8[%parallel_loop3A_466, %parallel_loop3A_467, %parallel_loop3A_468] {strides = array<i32>} : memref<2x32x512xf32, #tpu.memory_space<vmem>>, vector<1x1x16xf32>,
        %parallel_loop3A_470 = vector.shape_cast %parallel_loop3A_469 : vector<1x1x16xf32> to vector<16xf32>
        %parallel_loop3A_471 = vector.shape_cast %parallel_loop3A_465 : vector<16xf32> to vector<1x1x16xf32>
        tpu.vector_store %arg8[%parallel_loop3A_466, %parallel_loop3A_467, %parallel_loop3A_468], %parallel_loop3A_471 {add = true, strides = array<i32>} : memref<2x32x512xf32, #tpu.memory_space<vmem>>, vector<1x1x16xf32>,
        %parallel_loop3A_472 = arith.index_cast %rem3A_207 : i32 to index
        %parallel_loop3A_473 = arith.index_cast %parallel_loop3A_240 : i32 to index
        %parallel_loop3A_474 = arith.constant 336 : index
        %parallel_loop3A_475 = tpu.vector_load %arg6[%parallel_loop3A_472, %parallel_loop3A_473, %parallel_loop3A_474] {strides = array<i32>} : memref<2x32x512xf32, #tpu.memory_space<vmem>>, vector<1x1x16xf32>,
        %parallel_loop3A_476 = vector.shape_cast %parallel_loop3A_475 : vector<1x1x16xf32> to vector<16xf32>
        %parallel_loop3A_477 = arith.index_cast %rem3A_148 : i32 to index
        %parallel_loop3A_478 = arith.index_cast %parallel_loop3A_240 : i32 to index
        %parallel_loop3A_479 = arith.constant 336 : index
        %parallel_loop3A_480 = tpu.vector_load %arg8[%parallel_loop3A_477, %parallel_loop3A_478, %parallel_loop3A_479] {strides = array<i32>} : memref<2x32x512xf32, #tpu.memory_space<vmem>>, vector<1x1x16xf32>,
        %parallel_loop3A_481 = vector.shape_cast %parallel_loop3A_480 : vector<1x1x16xf32> to vector<16xf32>
        %parallel_loop3A_482 = vector.shape_cast %parallel_loop3A_476 : vector<16xf32> to vector<1x1x16xf32>
        tpu.vector_store %arg8[%parallel_loop3A_477, %parallel_loop3A_478, %parallel_loop3A_479], %parallel_loop3A_482 {add = true, strides = array<i32>} : memref<2x32x512xf32, #tpu.memory_space<vmem>>, vector<1x1x16xf32>,
        %parallel_loop3A_483 = arith.index_cast %rem3A_207 : i32 to index
        %parallel_loop3A_484 = arith.index_cast %parallel_loop3A_240 : i32 to index
        %parallel_loop3A_485 = arith.constant 352 : index
        %parallel_loop3A_486 = tpu.vector_load %arg6[%parallel_loop3A_483, %parallel_loop3A_484, %parallel_loop3A_485] {strides = array<i32>} : memref<2x32x512xf32, #tpu.memory_space<vmem>>, vector<1x1x16xf32>,
        %parallel_loop3A_487 = vector.shape_cast %parallel_loop3A_486 : vector<1x1x16xf32> to vector<16xf32>
        %parallel_loop3A_488 = arith.index_cast %rem3A_148 : i32 to index
        %parallel_loop3A_489 = arith.index_cast %parallel_loop3A_240 : i32 to index
        %parallel_loop3A_490 = arith.constant 352 : index
        %parallel_loop3A_491 = tpu.vector_load %arg8[%parallel_loop3A_488, %parallel_loop3A_489, %parallel_loop3A_490] {strides = array<i32>} : memref<2x32x512xf32, #tpu.memory_space<vmem>>, vector<1x1x16xf32>,
        %parallel_loop3A_492 = vector.shape_cast %parallel_loop3A_491 : vector<1x1x16xf32> to vector<16xf32>
        %parallel_loop3A_493 = vector.shape_cast %parallel_loop3A_487 : vector<16xf32> to vector<1x1x16xf32>
        tpu.vector_store %arg8[%parallel_loop3A_488, %parallel_loop3A_489, %parallel_loop3A_490], %parallel_loop3A_493 {add = true, strides = array<i32>} : memref<2x32x512xf32, #tpu.memory_space<vmem>>, vector<1x1x16xf32>,
        %parallel_loop3A_494 = arith.index_cast %rem3A_207 : i32 to index
        %parallel_loop3A_495 = arith.index_cast %parallel_loop3A_240 : i32 to index
        %parallel_loop3A_496 = arith.constant 368 : index
        %parallel_loop3A_497 = tpu.vector_load %arg6[%parallel_loop3A_494, %parallel_loop3A_495, %parallel_loop3A_496] {strides = array<i32>} : memref<2x32x512xf32, #tpu.memory_space<vmem>>, vector<1x1x16xf32>,
        %parallel_loop3A_498 = vector.shape_cast %parallel_loop3A_497 : vector<1x1x16xf32> to vector<16xf32>
        %parallel_loop3A_499 = arith.index_cast %rem3A_148 : i32 to index
        %parallel_loop3A_500 = arith.index_cast %parallel_loop3A_240 : i32 to index
        %parallel_loop3A_501 = arith.constant 368 : index
        %parallel_loop3A_502 = tpu.vector_load %arg8[%parallel_loop3A_499, %parallel_loop3A_500, %parallel_loop3A_501] {strides = array<i32>} : memref<2x32x512xf32, #tpu.memory_space<vmem>>, vector<1x1x16xf32>,
        %parallel_loop3A_503 = vector.shape_cast %parallel_loop3A_502 : vector<1x1x16xf32> to vector<16xf32>
        %parallel_loop3A_504 = vector.shape_cast %parallel_loop3A_498 : vector<16xf32> to vector<1x1x16xf32>
        tpu.vector_store %arg8[%parallel_loop3A_499, %parallel_loop3A_500, %parallel_loop3A_501], %parallel_loop3A_504 {add = true, strides = array<i32>} : memref<2x32x512xf32, #tpu.memory_space<vmem>>, vector<1x1x16xf32>,
        %parallel_loop3A_505 = arith.index_cast %rem3A_207 : i32 to index
        %parallel_loop3A_506 = arith.index_cast %parallel_loop3A_240 : i32 to index
        %parallel_loop3A_507 = arith.constant 384 : index
        %parallel_loop3A_508 = tpu.vector_load %arg6[%parallel_loop3A_505, %parallel_loop3A_506, %parallel_loop3A_507] {strides = array<i32>} : memref<2x32x512xf32, #tpu.memory_space<vmem>>, vector<1x1x16xf32>,
        %parallel_loop3A_509 = vector.shape_cast %parallel_loop3A_508 : vector<1x1x16xf32> to vector<16xf32>
        %parallel_loop3A_510 = arith.index_cast %rem3A_148 : i32 to index
        %parallel_loop3A_511 = arith.index_cast %parallel_loop3A_240 : i32 to index
        %parallel_loop3A_512 = arith.constant 384 : index
        %parallel_loop3A_513 = tpu.vector_load %arg8[%parallel_loop3A_510, %parallel_loop3A_511, %parallel_loop3A_512] {strides = array<i32>} : memref<2x32x512xf32, #tpu.memory_space<vmem>>, vector<1x1x16xf32>,
        %parallel_loop3A_514 = vector.shape_cast %parallel_loop3A_513 : vector<1x1x16xf32> to vector<16xf32>
        %parallel_loop3A_515 = vector.shape_cast %parallel_loop3A_509 : vector<16xf32> to vector<1x1x16xf32>
        tpu.vector_store %arg8[%parallel_loop3A_510, %parallel_loop3A_511, %parallel_loop3A_512], %parallel_loop3A_515 {add = true, strides = array<i32>} : memref<2x32x512xf32, #tpu.memory_space<vmem>>, vector<1x1x16xf32>,
        %parallel_loop3A_516 = arith.index_cast %rem3A_207 : i32 to index
        %parallel_loop3A_517 = arith.index_cast %parallel_loop3A_240 : i32 to index
        %parallel_loop3A_518 = arith.constant 400 : index
        %parallel_loop3A_519 = tpu.vector_load %arg6[%parallel_loop3A_516, %parallel_loop3A_517, %parallel_loop3A_518] {strides = array<i32>} : memref<2x32x512xf32, #tpu.memory_space<vmem>>, vector<1x1x16xf32>,
        %parallel_loop3A_520 = vector.shape_cast %parallel_loop3A_519 : vector<1x1x16xf32> to vector<16xf32>
        %parallel_loop3A_521 = arith.index_cast %rem3A_148 : i32 to index
        %parallel_loop3A_522 = arith.index_cast %parallel_loop3A_240 : i32 to index
        %parallel_loop3A_523 = arith.constant 400 : index
        %parallel_loop3A_524 = tpu.vector_load %arg8[%parallel_loop3A_521, %parallel_loop3A_522, %parallel_loop3A_523] {strides = array<i32>} : memref<2x32x512xf32, #tpu.memory_space<vmem>>, vector<1x1x16xf32>,
        %parallel_loop3A_525 = vector.shape_cast %parallel_loop3A_524 : vector<1x1x16xf32> to vector<16xf32>
        %parallel_loop3A_526 = vector.shape_cast %parallel_loop3A_520 : vector<16xf32> to vector<1x1x16xf32>
        tpu.vector_store %arg8[%parallel_loop3A_521, %parallel_loop3A_522, %parallel_loop3A_523], %parallel_loop3A_526 {add = true, strides = array<i32>} : memref<2x32x512xf32, #tpu.memory_space<vmem>>, vector<1x1x16xf32>,
        %parallel_loop3A_527 = arith.index_cast %rem3A_207 : i32 to index
        %parallel_loop3A_528 = arith.index_cast %parallel_loop3A_240 : i32 to index
        %parallel_loop3A_529 = arith.constant 416 : index
        %parallel_loop3A_530 = tpu.vector_load %arg6[%parallel_loop3A_527, %parallel_loop3A_528, %parallel_loop3A_529] {strides = array<i32>} : memref<2x32x512xf32, #tpu.memory_space<vmem>>, vector<1x1x16xf32>,
        %parallel_loop3A_531 = vector.shape_cast %parallel_loop3A_530 : vector<1x1x16xf32> to vector<16xf32>
        %parallel_loop3A_532 = arith.index_cast %rem3A_148 : i32 to index
        %parallel_loop3A_533 = arith.index_cast %parallel_loop3A_240 : i32 to index
        %parallel_loop3A_534 = arith.constant 416 : index
        %parallel_loop3A_535 = tpu.vector_load %arg8[%parallel_loop3A_532, %parallel_loop3A_533, %parallel_loop3A_534] {strides = array<i32>} : memref<2x32x512xf32, #tpu.memory_space<vmem>>, vector<1x1x16xf32>,
        %parallel_loop3A_536 = vector.shape_cast %parallel_loop3A_535 : vector<1x1x16xf32> to vector<16xf32>
        %parallel_loop3A_537 = vector.shape_cast %parallel_loop3A_531 : vector<16xf32> to vector<1x1x16xf32>
        tpu.vector_store %arg8[%parallel_loop3A_532, %parallel_loop3A_533, %parallel_loop3A_534], %parallel_loop3A_537 {add = true, strides = array<i32>} : memref<2x32x512xf32, #tpu.memory_space<vmem>>, vector<1x1x16xf32>,
        %parallel_loop3A_538 = arith.index_cast %rem3A_207 : i32 to index
        %parallel_loop3A_539 = arith.index_cast %parallel_loop3A_240 : i32 to index
        %parallel_loop3A_540 = arith.constant 432 : index
        %parallel_loop3A_541 = tpu.vector_load %arg6[%parallel_loop3A_538, %parallel_loop3A_539, %parallel_loop3A_540] {strides = array<i32>} : memref<2x32x512xf32, #tpu.memory_space<vmem>>, vector<1x1x16xf32>,
        %parallel_loop3A_542 = vector.shape_cast %parallel_loop3A_541 : vector<1x1x16xf32> to vector<16xf32>
        %parallel_loop3A_543 = arith.index_cast %rem3A_148 : i32 to index
        %parallel_loop3A_544 = arith.index_cast %parallel_loop3A_240 : i32 to index
        %parallel_loop3A_545 = arith.constant 432 : index
        %parallel_loop3A_546 = tpu.vector_load %arg8[%parallel_loop3A_543, %parallel_loop3A_544, %parallel_loop3A_545] {strides = array<i32>} : memref<2x32x512xf32, #tpu.memory_space<vmem>>, vector<1x1x16xf32>,
        %parallel_loop3A_547 = vector.shape_cast %parallel_loop3A_546 : vector<1x1x16xf32> to vector<16xf32>
        %parallel_loop3A_548 = vector.shape_cast %parallel_loop3A_542 : vector<16xf32> to vector<1x1x16xf32>
        tpu.vector_store %arg8[%parallel_loop3A_543, %parallel_loop3A_544, %parallel_loop3A_545], %parallel_loop3A_548 {add = true, strides = array<i32>} : memref<2x32x512xf32, #tpu.memory_space<vmem>>, vector<1x1x16xf32>,
        %parallel_loop3A_549 = arith.index_cast %rem3A_207 : i32 to index
        %parallel_loop3A_550 = arith.index_cast %parallel_loop3A_240 : i32 to index
        %parallel_loop3A_551 = arith.constant 448 : index
        %parallel_loop3A_552 = tpu.vector_load %arg6[%parallel_loop3A_549, %parallel_loop3A_550, %parallel_loop3A_551] {strides = array<i32>} : memref<2x32x512xf32, #tpu.memory_space<vmem>>, vector<1x1x16xf32>,
        %parallel_loop3A_553 = vector.shape_cast %parallel_loop3A_552 : vector<1x1x16xf32> to vector<16xf32>
        %parallel_loop3A_554 = arith.index_cast %rem3A_148 : i32 to index
        %parallel_loop3A_555 = arith.index_cast %parallel_loop3A_240 : i32 to index
        %parallel_loop3A_556 = arith.constant 448 : index
        %parallel_loop3A_557 = tpu.vector_load %arg8[%parallel_loop3A_554, %parallel_loop3A_555, %parallel_loop3A_556] {strides = array<i32>} : memref<2x32x512xf32, #tpu.memory_space<vmem>>, vector<1x1x16xf32>,
        %parallel_loop3A_558 = vector.shape_cast %parallel_loop3A_557 : vector<1x1x16xf32> to vector<16xf32>
        %parallel_loop3A_559 = vector.shape_cast %parallel_loop3A_553 : vector<16xf32> to vector<1x1x16xf32>
        tpu.vector_store %arg8[%parallel_loop3A_554, %parallel_loop3A_555, %parallel_loop3A_556], %parallel_loop3A_559 {add = true, strides = array<i32>} : memref<2x32x512xf32, #tpu.memory_space<vmem>>, vector<1x1x16xf32>,
        %parallel_loop3A_560 = arith.index_cast %rem3A_207 : i32 to index
        %parallel_loop3A_561 = arith.index_cast %parallel_loop3A_240 : i32 to index
        %parallel_loop3A_562 = arith.constant 464 : index
        %parallel_loop3A_563 = tpu.vector_load %arg6[%parallel_loop3A_560, %parallel_loop3A_561, %parallel_loop3A_562] {strides = array<i32>} : memref<2x32x512xf32, #tpu.memory_space<vmem>>, vector<1x1x16xf32>,
        %parallel_loop3A_564 = vector.shape_cast %parallel_loop3A_563 : vector<1x1x16xf32> to vector<16xf32>
        %parallel_loop3A_565 = arith.index_cast %rem3A_148 : i32 to index
        %parallel_loop3A_566 = arith.index_cast %parallel_loop3A_240 : i32 to index
        %parallel_loop3A_567 = arith.constant 464 : index
        %parallel_loop3A_568 = tpu.vector_load %arg8[%parallel_loop3A_565, %parallel_loop3A_566, %parallel_loop3A_567] {strides = array<i32>} : memref<2x32x512xf32, #tpu.memory_space<vmem>>, vector<1x1x16xf32>,
        %parallel_loop3A_569 = vector.shape_cast %parallel_loop3A_568 : vector<1x1x16xf32> to vector<16xf32>
        %parallel_loop3A_570 = vector.shape_cast %parallel_loop3A_564 : vector<16xf32> to vector<1x1x16xf32>
        tpu.vector_store %arg8[%parallel_loop3A_565, %parallel_loop3A_566, %parallel_loop3A_567], %parallel_loop3A_570 {add = true, strides = array<i32>} : memref<2x32x512xf32, #tpu.memory_space<vmem>>, vector<1x1x16xf32>,
        %parallel_loop3A_571 = arith.index_cast %rem3A_207 : i32 to index
        %parallel_loop3A_572 = arith.index_cast %parallel_loop3A_240 : i32 to index
        %parallel_loop3A_573 = arith.constant 480 : index
        %parallel_loop3A_574 = tpu.vector_load %arg6[%parallel_loop3A_571, %parallel_loop3A_572, %parallel_loop3A_573] {strides = array<i32>} : memref<2x32x512xf32, #tpu.memory_space<vmem>>, vector<1x1x16xf32>,
        %parallel_loop3A_575 = vector.shape_cast %parallel_loop3A_574 : vector<1x1x16xf32> to vector<16xf32>
        %parallel_loop3A_576 = arith.index_cast %rem3A_148 : i32 to index
        %parallel_loop3A_577 = arith.index_cast %parallel_loop3A_240 : i32 to index
        %parallel_loop3A_578 = arith.constant 480 : index
        %parallel_loop3A_579 = tpu.vector_load %arg8[%parallel_loop3A_576, %parallel_loop3A_577, %parallel_loop3A_578] {strides = array<i32>} : memref<2x32x512xf32, #tpu.memory_space<vmem>>, vector<1x1x16xf32>,
        %parallel_loop3A_580 = vector.shape_cast %parallel_loop3A_579 : vector<1x1x16xf32> to vector<16xf32>
        %parallel_loop3A_581 = vector.shape_cast %parallel_loop3A_575 : vector<16xf32> to vector<1x1x16xf32>
        tpu.vector_store %arg8[%parallel_loop3A_576, %parallel_loop3A_577, %parallel_loop3A_578], %parallel_loop3A_581 {add = true, strides = array<i32>} : memref<2x32x512xf32, #tpu.memory_space<vmem>>, vector<1x1x16xf32>,
        %parallel_loop3A_582 = arith.index_cast %rem3A_207 : i32 to index
        %parallel_loop3A_583 = arith.index_cast %parallel_loop3A_240 : i32 to index
        %parallel_loop3A_584 = arith.constant 496 : index
        %parallel_loop3A_585 = tpu.vector_load %arg6[%parallel_loop3A_582, %parallel_loop3A_583, %parallel_loop3A_584] {strides = array<i32>} : memref<2x32x512xf32, #tpu.memory_space<vmem>>, vector<1x1x16xf32>,
        %parallel_loop3A_586 = vector.shape_cast %parallel_loop3A_585 : vector<1x1x16xf32> to vector<16xf32>
        %parallel_loop3A_587 = arith.index_cast %rem3A_148 : i32 to index
        %parallel_loop3A_588 = arith.index_cast %parallel_loop3A_240 : i32 to index
        %parallel_loop3A_589 = arith.constant 496 : index
        %parallel_loop3A_590 = tpu.vector_load %arg8[%parallel_loop3A_587, %parallel_loop3A_588, %parallel_loop3A_589] {strides = array<i32>} : memref<2x32x512xf32, #tpu.memory_space<vmem>>, vector<1x1x16xf32>,
        %parallel_loop3A_591 = vector.shape_cast %parallel_loop3A_590 : vector<1x1x16xf32> to vector<16xf32>
        %parallel_loop3A_592 = vector.shape_cast %parallel_loop3A_586 : vector<16xf32> to vector<1x1x16xf32>
        tpu.vector_store %arg8[%parallel_loop3A_587, %parallel_loop3A_588, %parallel_loop3A_589], %parallel_loop3A_592 {add = true, strides = array<i32>} : memref<2x32x512xf32, #tpu.memory_space<vmem>>, vector<1x1x16xf32>,
      } {sc.loop_unroll_factor = 4 : i64, sc.parallel_access}
      %ge3A_210 = arith.constant 2 : i32
      %ge3A_211 = arith.cmpi sge, %scan3A_128, %ge3A_210 : i32
      %convert_element_type3A_212 = arith.extui %ge3A_211 : i1 to i32
      %cond3A_213 = arith.constant 0 : i32
      %cond3A_214 = arith.cmpi ne, %convert_element_type3A_212, %cond3A_213 : i32
      scf.if %cond3A_214 {
        %sub3A_240 = arith.constant 2 : i32
        %sub3A_241 = arith.subi %scan3A_128, %sub3A_240 : i32
        %jit3A_242 = arith.constant 4 : i32
        %div3A_243 = arith.divsi %sub3A_241, %jit3A_242 : i32
        %sign3A_244 = arith.constant 0 : i32
        %sign3A_245 = arith.cmpi sgt, %sub3A_241, %sign3A_244 : i32
        %sign3A_246 = arith.extui %sign3A_245 : i1 to i32
        %sign3A_247 = arith.constant 0 : i32
        %sign3A_248 = arith.cmpi slt, %sub3A_241, %sign3A_247 : i32
        %sign3A_249 = arith.extui %sign3A_248 : i1 to i32
        %sign3A_250 = arith.subi %sign3A_246, %sign3A_249 : i32
        %sign3A_251 = arith.constant 0 : i32
        %sign3A_252 = arith.cmpi sgt, %jit3A_242, %sign3A_251 : i32
        %sign3A_253 = arith.extui %sign3A_252 : i1 to i32
        %sign3A_254 = arith.constant 0 : i32
        %sign3A_255 = arith.cmpi slt, %jit3A_242, %sign3A_254 : i32
        %sign3A_256 = arith.extui %sign3A_255 : i1 to i32
        %sign3A_257 = arith.subi %sign3A_253, %sign3A_256 : i32
        %ne3A_258 = arith.cmpi ne, %sign3A_250, %sign3A_257 : i32
        %rem3A_259 = arith.remsi %sub3A_241, %jit3A_242 : i32
        %ne3A_260 = arith.constant 0 : i32
        %ne3A_261 = arith.cmpi ne, %rem3A_259, %ne3A_260 : i32
        %and3A_262 = arith.andi %ne3A_258, %ne3A_261 : i1
        %sub3A_263 = arith.constant 1 : i32
        %sub3A_264 = arith.subi %div3A_243, %sub3A_263 : i32
        %select_n3A_265 = arith.select %and3A_262, %sub3A_264, %div3A_243 : i32
        %rem3A_266 = arith.constant 4 : i32
        %rem3A_267 = arith.remsi %sub3A_241, %rem3A_266 : i32
        %rem3A_268 = arith.constant 2 : i32
        %rem3A_269 = arith.remsi %sub3A_241, %rem3A_268 : i32
        %add3A_270 = arith.addi %mul3A_2, %rem3A_267 : i32
        %mul3A_271 = arith.constant 32 : i32
        %mul3A_272 = arith.muli %select_n3A_265, %mul3A_271 : i32
        %dma_wait3A_273 = tpu.memref_slice %arg11[%rem3A_269] : memref<2x!tpu.dma_semaphore, #tpu.memory_space<semaphore_mem>> -> memref<1x!tpu.dma_semaphore, #tpu.memory_space<semaphore_mem>>
        %dma_wait3A_274 = tpu.memref_squeeze %dma_wait3A_273 : memref<1x!tpu.dma_semaphore, #tpu.memory_space<semaphore_mem>> -> memref<!tpu.dma_semaphore, #tpu.memory_space<semaphore_mem>>
        %dma_wait3A_275 = arith.constant 0 : i32
        %dma_wait3A_276 = tpu.memref_slice %arg5[%add3A_270, %mul3A_272, %dma_wait3A_275] : memref<128x512x512xf32, #tpu.memory_space<hbm>> -> memref<1x32x512xf32, #tpu.memory_space<hbm>>
        %dma_wait3A_277 = tpu.memref_squeeze %dma_wait3A_276 : memref<1x32x512xf32, #tpu.memory_space<hbm>> -> memref<32x512xf32, #tpu.memory_space<hbm>>
        %dma_wait3A_278 = arith.constant 0 : i32
        %dma_wait3A_279 = arith.constant 0 : i32
        %dma_wait3A_280 = tpu.memref_slice %arg9[%arg1, %rem3A_269, %dma_wait3A_278, %dma_wait3A_279] : memref<16x2x32x512xf32, #tpu.memory_space<vmem_shared>> -> memref<1x1x32x512xf32, #tpu.memory_space<vmem_shared>>
        %dma_wait3A_281 = tpu.memref_squeeze %dma_wait3A_280 : memref<1x1x32x512xf32, #tpu.memory_space<vmem_shared>> -> memref<32x512xf32, #tpu.memory_space<vmem_shared>>
        tpu.wait_dma2 semaphore(%dma_wait3A_274 : memref<!tpu.dma_semaphore, #tpu.memory_space<semaphore_mem>>) src(%dma_wait3A_281 : memref<32x512xf32, #tpu.memory_space<vmem_shared>>) dst(%dma_wait3A_277 : memref<32x512xf32, #tpu.memory_space<hbm>>)
      } else {
      }
      %rem3A_215 = arith.constant 2 : i32
      %rem3A_216 = arith.remsi %scan3A_128, %rem3A_215 : i32
      %rem3A_217 = arith.constant 2 : i32
      %rem3A_218 = arith.remsi %scan3A_128, %rem3A_217 : i32
      %rem3A_219 = arith.constant 2 : i32
      %rem3A_220 = arith.remsi %scan3A_128, %rem3A_219 : i32
      %dma_start3A_221 = arith.constant 0 : i32
      %dma_start3A_222 = arith.constant 0 : i32
      %dma_start3A_223 = tpu.memref_slice %arg8[%rem3A_216, %dma_start3A_221, %dma_start3A_222] : memref<2x32x512xf32, #tpu.memory_space<vmem>> -> memref<1x32x512xf32, #tpu.memory_space<vmem>>
      %dma_start3A_224 = tpu.memref_squeeze %dma_start3A_223 : memref<1x32x512xf32, #tpu.memory_space<vmem>> -> memref<32x512xf32, #tpu.memory_space<vmem>>
      %dma_start3A_225 = arith.constant 0 : i32
      %dma_start3A_226 = arith.constant 0 : i32
      %dma_start3A_227 = tpu.memref_slice %arg9[%arg1, %rem3A_218, %dma_start3A_225, %dma_start3A_226] : memref<16x2x32x512xf32, #tpu.memory_space<vmem_shared>> -> memref<1x1x32x512xf32, #tpu.memory_space<vmem_shared>>
      %dma_start3A_228 = tpu.memref_squeeze %dma_start3A_227 : memref<1x1x32x512xf32, #tpu.memory_space<vmem_shared>> -> memref<32x512xf32, #tpu.memory_space<vmem_shared>>
      %dma_start3A_229 = tpu.memref_slice %arg13[%rem3A_220] : memref<2x!tpu.dma_semaphore, #tpu.memory_space<semaphore_mem>> -> memref<1x!tpu.dma_semaphore, #tpu.memory_space<semaphore_mem>>
      %dma_start3A_230 = tpu.memref_squeeze %dma_start3A_229 : memref<1x!tpu.dma_semaphore, #tpu.memory_space<semaphore_mem>> -> memref<!tpu.dma_semaphore, #tpu.memory_space<semaphore_mem>>
      %dma_start3A_231 = arith.constant 0 : i32
      %dma_start3A_232 = arith.constant 0 : i32
      %dma_start3A_233 = tpu.memref_slice %arg9[%arg1, %rem3A_218, %dma_start3A_231, %dma_start3A_232] : memref<16x2x32x512xf32, #tpu.memory_space<vmem_shared>> -> memref<1x1x32x512xf32, #tpu.memory_space<vmem_shared>>
      %dma_start3A_234 = tpu.memref_squeeze %dma_start3A_233 : memref<1x1x32x512xf32, #tpu.memory_space<vmem_shared>> -> memref<32x512xf32, #tpu.memory_space<vmem_shared>>
      %dma_start3A_235 = arith.constant 0 : i32
      %dma_start3A_236 = arith.constant 0 : i32
      %dma_start3A_237 = tpu.memref_slice %arg8[%rem3A_216, %dma_start3A_235, %dma_start3A_236] : memref<2x32x512xf32, #tpu.memory_space<vmem>> -> memref<1x32x512xf32, #tpu.memory_space<vmem>>
      %dma_start3A_238 = tpu.memref_squeeze %dma_start3A_237 : memref<1x32x512xf32, #tpu.memory_space<vmem>> -> memref<32x512xf32, #tpu.memory_space<vmem>>
      tpu.enqueue_dma source(%dma_start3A_238 : memref<32x512xf32, #tpu.memory_space<vmem>>) target(%dma_start3A_234 : memref<32x512xf32, #tpu.memory_space<vmem_shared>>) target_semaphore(%dma_start3A_230 : memref<!tpu.dma_semaphore, #tpu.memory_space<semaphore_mem>>)
      %scan3A_239 = arith.constant 0 : i32
      scf.yield %scan3A_239 : i32
    }
    %scan3A_50 = arith.constant 64 : i32
    %rem3A_51 = arith.constant 63 : i32
    %rem3A_52 = arith.constant 2 : i32
    %rem3A_53 = arith.remsi %rem3A_51, %rem3A_52 : i32
    %rem3A_54 = arith.constant 63 : i32
    %rem3A_55 = arith.constant 2 : i32
    %rem3A_56 = arith.remsi %rem3A_54, %rem3A_55 : i32
    %rem3A_57 = arith.constant 63 : i32
    %rem3A_58 = arith.constant 2 : i32
    %rem3A_59 = arith.remsi %rem3A_57, %rem3A_58 : i32
    %dma_wait3A = arith.constant 0 : i32
    %dma_wait3A_60 = arith.constant 0 : i32
    %dma_wait3A_61 = tpu.memref_slice %arg8[%rem3A_53, %dma_wait3A, %dma_wait3A_60] : memref<2x32x512xf32, #tpu.memory_space<vmem>> -> memref<1x32x512xf32, #tpu.memory_space<vmem>>
    %dma_wait3A_62 = tpu.memref_squeeze %dma_wait3A_61 : memref<1x32x512xf32, #tpu.memory_space<vmem>> -> memref<32x512xf32, #tpu.memory_space<vmem>>
    %dma_wait3A_63 = arith.constant 0 : i32
    %dma_wait3A_64 = arith.constant 0 : i32
    %dma_wait3A_65 = tpu.memref_slice %arg9[%arg1, %rem3A_56, %dma_wait3A_63, %dma_wait3A_64] : memref<16x2x32x512xf32, #tpu.memory_space<vmem_shared>> -> memref<1x1x32x512xf32, #tpu.memory_space<vmem_shared>>
    %dma_wait3A_66 = tpu.memref_squeeze %dma_wait3A_65 : memref<1x1x32x512xf32, #tpu.memory_space<vmem_shared>> -> memref<32x512xf32, #tpu.memory_space<vmem_shared>>
    %dma_wait3A_67 = tpu.memref_slice %arg13[%rem3A_59] : memref<2x!tpu.dma_semaphore, #tpu.memory_space<semaphore_mem>> -> memref<1x!tpu.dma_semaphore, #tpu.memory_space<semaphore_mem>>
    %dma_wait3A_68 = tpu.memref_squeeze %dma_wait3A_67 : memref<1x!tpu.dma_semaphore, #tpu.memory_space<semaphore_mem>> -> memref<!tpu.dma_semaphore, #tpu.memory_space<semaphore_mem>>
    %dma_wait3A_69 = arith.constant 0 : i32
    %dma_wait3A_70 = arith.constant 0 : i32
    %dma_wait3A_71 = tpu.memref_slice %arg9[%arg1, %rem3A_56, %dma_wait3A_69, %dma_wait3A_70] : memref<16x2x32x512xf32, #tpu.memory_space<vmem_shared>> -> memref<1x1x32x512xf32, #tpu.memory_space<vmem_shared>>
    %dma_wait3A_72 = tpu.memref_squeeze %dma_wait3A_71 : memref<1x1x32x512xf32, #tpu.memory_space<vmem_shared>> -> memref<32x512xf32, #tpu.memory_space<vmem_shared>>
    %dma_wait3A_73 = arith.constant 0 : i32
    %dma_wait3A_74 = arith.constant 0 : i32
    %dma_wait3A_75 = tpu.memref_slice %arg8[%rem3A_53, %dma_wait3A_73, %dma_wait3A_74] : memref<2x32x512xf32, #tpu.memory_space<vmem>> -> memref<1x32x512xf32, #tpu.memory_space<vmem>>
    %dma_wait3A_76 = tpu.memref_squeeze %dma_wait3A_75 : memref<1x32x512xf32, #tpu.memory_space<vmem>> -> memref<32x512xf32, #tpu.memory_space<vmem>>
    tpu.wait_dma2 semaphore(%dma_wait3A_68 : memref<!tpu.dma_semaphore, #tpu.memory_space<semaphore_mem>>) src(%dma_wait3A_76 : memref<32x512xf32, #tpu.memory_space<vmem>>) dst(%dma_wait3A_72 : memref<32x512xf32, #tpu.memory_space<vmem_shared>>)
    %rem3A_77 = arith.constant 63 : i32
    %rem3A_78 = arith.constant 4 : i32
    %rem3A_79 = arith.remsi %rem3A_77, %rem3A_78 : i32
    %rem3A_80 = arith.constant 63 : i32
    %rem3A_81 = arith.constant 2 : i32
    %rem3A_82 = arith.remsi %rem3A_80, %rem3A_81 : i32
    %add3A_83 = arith.addi %mul3A_2, %rem3A_79 : i32
    %dma_start3A_84 = tpu.memref_slice %arg11[%rem3A_82] : memref<2x!tpu.dma_semaphore, #tpu.memory_space<semaphore_mem>> -> memref<1x!tpu.dma_semaphore, #tpu.memory_space<semaphore_mem>>
    %dma_start3A_85 = tpu.memref_squeeze %dma_start3A_84 : memref<1x!tpu.dma_semaphore, #tpu.memory_space<semaphore_mem>> -> memref<!tpu.dma_semaphore, #tpu.memory_space<semaphore_mem>>
    %dma_start3A_86 = arith.constant 480 : i32
    %dma_start3A_87 = arith.constant 0 : i32
    %dma_start3A_88 = tpu.memref_slice %arg5[%add3A_83, %dma_start3A_86, %dma_start3A_87] : memref<128x512x512xf32, #tpu.memory_space<hbm>> -> memref<1x32x512xf32, #tpu.memory_space<hbm>>
    %dma_start3A_89 = tpu.memref_squeeze %dma_start3A_88 : memref<1x32x512xf32, #tpu.memory_space<hbm>> -> memref<32x512xf32, #tpu.memory_space<hbm>>
    %dma_start3A_90 = arith.constant 0 : i32
    %dma_start3A_91 = arith.constant 0 : i32
    %dma_start3A_92 = tpu.memref_slice %arg9[%arg1, %rem3A_82, %dma_start3A_90, %dma_start3A_91] : memref<16x2x32x512xf32, #tpu.memory_space<vmem_shared>> -> memref<1x1x32x512xf32, #tpu.memory_space<vmem_shared>>
    %dma_start3A_93 = tpu.memref_squeeze %dma_start3A_92 : memref<1x1x32x512xf32, #tpu.memory_space<vmem_shared>> -> memref<32x512xf32, #tpu.memory_space<vmem_shared>>
    tpu.enqueue_dma source(%dma_start3A_93 : memref<32x512xf32, #tpu.memory_space<vmem_shared>>) target(%dma_start3A_89 : memref<32x512xf32, #tpu.memory_space<hbm>>) target_semaphore(%dma_start3A_85 : memref<!tpu.dma_semaphore, #tpu.memory_space<semaphore_mem>>)
    %rem3A_94 = arith.constant 62 : i32
    %rem3A_95 = arith.constant 4 : i32
    %rem3A_96 = arith.remsi %rem3A_94, %rem3A_95 : i32
    %rem3A_97 = arith.constant 62 : i32
    %rem3A_98 = arith.constant 2 : i32
    %rem3A_99 = arith.remsi %rem3A_97, %rem3A_98 : i32
    %add3A_100 = arith.addi %mul3A_2, %rem3A_96 : i32
    %dma_wait3A_101 = tpu.memref_slice %arg11[%rem3A_99] : memref<2x!tpu.dma_semaphore, #tpu.memory_space<semaphore_mem>> -> memref<1x!tpu.dma_semaphore, #tpu.memory_space<semaphore_mem>>
    %dma_wait3A_102 = tpu.memref_squeeze %dma_wait3A_101 : memref<1x!tpu.dma_semaphore, #tpu.memory_space<semaphore_mem>> -> memref<!tpu.dma_semaphore, #tpu.memory_space<semaphore_mem>>
    %dma_wait3A_103 = arith.constant 480 : i32
    %dma_wait3A_104 = arith.constant 0 : i32
    %dma_wait3A_105 = tpu.memref_slice %arg5[%add3A_100, %dma_wait3A_103, %dma_wait3A_104] : memref<128x512x512xf32, #tpu.memory_space<hbm>> -> memref<1x32x512xf32, #tpu.memory_space<hbm>>
    %dma_wait3A_106 = tpu.memref_squeeze %dma_wait3A_105 : memref<1x32x512xf32, #tpu.memory_space<hbm>> -> memref<32x512xf32, #tpu.memory_space<hbm>>
    %dma_wait3A_107 = arith.constant 0 : i32
    %dma_wait3A_108 = arith.constant 0 : i32
    %dma_wait3A_109 = tpu.memref_slice %arg9[%arg1, %rem3A_99, %dma_wait3A_107, %dma_wait3A_108] : memref<16x2x32x512xf32, #tpu.memory_space<vmem_shared>> -> memref<1x1x32x512xf32, #tpu.memory_space<vmem_shared>>
    %dma_wait3A_110 = tpu.memref_squeeze %dma_wait3A_109 : memref<1x1x32x512xf32, #tpu.memory_space<vmem_shared>> -> memref<32x512xf32, #tpu.memory_space<vmem_shared>>
    tpu.wait_dma2 semaphore(%dma_wait3A_102 : memref<!tpu.dma_semaphore, #tpu.memory_space<semaphore_mem>>) src(%dma_wait3A_110 : memref<32x512xf32, #tpu.memory_space<vmem_shared>>) dst(%dma_wait3A_106 : memref<32x512xf32, #tpu.memory_space<hbm>>)
    %rem3A_111 = arith.constant 63 : i32
    %rem3A_112 = arith.constant 4 : i32
    %rem3A_113 = arith.remsi %rem3A_111, %rem3A_112 : i32
    %rem3A_114 = arith.constant 63 : i32
    %rem3A_115 = arith.constant 2 : i32
    %rem3A_116 = arith.remsi %rem3A_114, %rem3A_115 : i32
    %add3A_117 = arith.addi %mul3A_2, %rem3A_113 : i32
    %dma_wait3A_118 = tpu.memref_slice %arg11[%rem3A_116] : memref<2x!tpu.dma_semaphore, #tpu.memory_space<semaphore_mem>> -> memref<1x!tpu.dma_semaphore, #tpu.memory_space<semaphore_mem>>
    %dma_wait3A_119 = tpu.memref_squeeze %dma_wait3A_118 : memref<1x!tpu.dma_semaphore, #tpu.memory_space<semaphore_mem>> -> memref<!tpu.dma_semaphore, #tpu.memory_space<semaphore_mem>>
    %dma_wait3A_120 = arith.constant 480 : i32
    %dma_wait3A_121 = arith.constant 0 : i32
    %dma_wait3A_122 = tpu.memref_slice %arg5[%add3A_117, %dma_wait3A_120, %dma_wait3A_121] : memref<128x512x512xf32, #tpu.memory_space<hbm>> -> memref<1x32x512xf32, #tpu.memory_space<hbm>>
    %dma_wait3A_123 = tpu.memref_squeeze %dma_wait3A_122 : memref<1x32x512xf32, #tpu.memory_space<hbm>> -> memref<32x512xf32, #tpu.memory_space<hbm>>
    %dma_wait3A_124 = arith.constant 0 : i32
    %dma_wait3A_125 = arith.constant 0 : i32
    %dma_wait3A_126 = tpu.memref_slice %arg9[%arg1, %rem3A_116, %dma_wait3A_124, %dma_wait3A_125] : memref<16x2x32x512xf32, #tpu.memory_space<vmem_shared>> -> memref<1x1x32x512xf32, #tpu.memory_space<vmem_shared>>
    %dma_wait3A_127 = tpu.memref_squeeze %dma_wait3A_126 : memref<1x1x32x512xf32, #tpu.memory_space<vmem_shared>> -> memref<32x512xf32, #tpu.memory_space<vmem_shared>>
    tpu.wait_dma2 semaphore(%dma_wait3A_119 : memref<!tpu.dma_semaphore, #tpu.memory_space<semaphore_mem>>) src(%dma_wait3A_127 : memref<32x512xf32, #tpu.memory_space<vmem_shared>>) dst(%dma_wait3A_123 : memref<32x512xf32, #tpu.memory_space<hbm>>)
    return
  }
}

module attributes {stable_mosaic.version = 14 : i64} {
  func.func @_scale_body(%arg0: memref<64x512xf32, #tpu.memory_space<vmem>>, %arg1: memref<64x512xf32, #tpu.memory_space<vmem>>) attributes {dimension_semantics = [], scalar_prefetch = 0 : i64, scratch_operands = 0 : i64, tpu.core_type = #tpu.core_type<tc>} {
    %get3A = arith.constant 0 : index
    %get3A_0 = arith.constant 0 : index
    %get3A_1 = vector.load %arg0[%get3A, %get3A_0] : memref<64x512xf32, #tpu.memory_space<vmem>>, vector<64x512xf32>
    %mul3A = arith.constant 22.6274166 : f32
    %mul3A_2 = vector.broadcast %mul3A : f32 to vector<64x512xf32>
    %mul3A_3 = arith.mulf %get3A_1, %mul3A_2 : vector<64x512xf32>
    %swap3A = arith.constant 0 : index
    %swap3A_4 = arith.constant 0 : index
    %swap3A_5 = vector.load %arg1[%swap3A, %swap3A_4] : memref<64x512xf32, #tpu.memory_space<vmem>>, vector<64x512xf32>
    tpu.vector_store %arg1[%swap3A, %swap3A_4], %mul3A_3 {strides = array<i32>} : memref<64x512xf32, #tpu.memory_space<vmem>>, vector<64x512xf32>,
    return
  }
}

</mosaic_0001>

<sc_bundles>
// kernel: kernel.4.cloned.1.call-start
scs
__scs_entry_jumppad:
0x0: {  	(pc) =	sbr.rel $0x88, $3  }
0x1: {  	(tag) =	ssettag $0x0;
	lr =	simm.s32 $0x1  }
0x2: {  	[smem:$0x3F9F] =	sst lr;
	_ =	strace $0xD0000000  }
0x3: {  	_ = 	snop  }
0x4: {  	_ = 	snop  }
0x5: {  	_ = 	snop  }
0x6: {  	_ = 	snop  }
0x7: {  	_ = 	snop  }
__scs_overlays_trampoline_lowered:
0x8: {  	[smem:$0x3FAE] =	sst s0  }
0x9: {  	[smem:$0x3FAF] =	sst s1  }
0xa: {  	[smem:$0x3FB0] =	sst s2  }
0xb: {  	[smem:$0x3FB1] =	sst s3  }
0xc: {  	[smem:$0x3FB2] =	sst s4  }
0xd: {  	[smem:$0x3FB3] =	sst s5  }
0xe: {  	[smem:$0x3FB4] =	sst s6  }
0xf: {  	[smem:$0x3FB5] =	sst s7  }
0x10: {  	[smem:$0x3FB6] =	sst s8  }
0x11: {  	[smem:$0x3FB7] =	sst s9;
	s0 =	simm.s32 @!p0 $0x0  }
0x12: {  	s1 =	sld [smem:$0x3F9D];
	s0 =	simm.s32 @p0 $0x1  }
0x13: {  	[smem:$0x3FB8] =	sst s0;
	s0 =	simm.s32 @!p1 $0x0  }
0x14: {  	s2 =	sld [smem:$0x3F9C];
	s0 =	simm.s32 @p1 $0x1  }
0x15: {  	[smem:$0x3FB9] =	sst s0;
	s0 =	simm.s32 @!p2 $0x0  }
0x16: {  	s3 =	sld [smem:$0x3FDB];
	s0 =	simm.s32 @p2 $0x1  }
0x17: {  	s4 =	simm.s32 $0x1BF5;
	[smem:$0x3FBB] =	sst s0  }
0x18: {  	s0 =	sld [smem:$0x3F9E];
	_ =	swait.ge [sflag:s4], $0x0  }
0x19: {  	s7 =	sld [smem:$0x3F9F]  }
0x1a: {  	s8 =	sadd.s32 $0xFFFFE003, lr  }
0x1b: {  	s9 =	sadd.s32 $0xFFFFFEF7, lr;
	s5 =	simm.s32 $0xFFFFFFFF;
	p2 =	slt.u32 s8, $0xFFFFF086  }
0x1c: {  	p1 =	slt.u32 s9, $0xF7A;
	s5 =	simm.s32 @!p2 $0x0  }
0x1d: {  	s5 =	simm.s32 @p1 $0x1;
	p0 =	seq.s32 s7, s2  }
0x1e: {  	s7 =	smul.u32 @!p0 $0xF7A, s2;
	p2 =	seq.s32 @!p0 s5, $0x0  }
0x1f: {  	s9 =	smul.u32 $0xF7A, s1;
	s8 =	simm.s32 @!p0 $0x1BF5;
	p2 =	por !p2, p0  }
0x20: {  	[sflag:s8] =	ssyncset.s32 @!p0 $0xFFFFF086;
	s6 =	sadd.s32 @!p0 s3, s7;
	s7 =	simm.s32 @!p0 $0x108  }
0x21: {  	s3 =	sadd.s32 s3, s9;
	s6 =	sadd.s32 @!p0 $0x88, s6;
	s7 =	simm.s32 @p2 $0x1082  }
0x22: {  	[simem:s7], [sflag:s8] =	dma.local @!p0 [hbm:s6], $0xF7A  }
0x23: {  	s9 =	sor.u32 $0xD0000000, s2;
	s6 =	simm.s32 $0x108;
	_ =	swait.ge @!p0 [sflag:s8], $0x0  }
0x24: {  	s3 =	sadd.s32 $0x88, s3;
	s6 =	simm.s32 @!p1 $0x1082;
	[sflag:s4] =	ssyncset.s32 $0xFFFFF086  }
0x25: {  	[simem:s6], [sflag:s4] =	dma.local [hbm:s3], $0xF7A  }
0x26: {  	[smem:$0x3F9F] =	sst s1;
	(tag) =	ssettag s2;
	_ =	strace s9  }
0x27: {  	s1 =	sld [smem:$0x3FAF]  }
0x28: {  	s2 =	sld [smem:$0x3FB0]  }
0x29: {  	s4 =	sld [smem:$0x3FB2]  }
0x2a: {  	p0 =	seq.s32 s5, $0x0;
	s5 =	sld [smem:$0x3FB3]  }
0x2b: {  	s6 =	sld [smem:$0x3FB4]  }
0x2c: {  	s7 =	sld [smem:$0x3FB5]  }
0x2d: {  	s3 =	simm.s32 $0x108;
	s8 =	sld [smem:$0x3FB6]  }
0x2e: {  	s3 =	simm.s32 @!p0 $0x1082;
	s9 =	sld [smem:$0x3FB7]  }
0x2f: {  	lr =	sadd.s32 s0, s3;
	s0 =	sld [smem:$0x3FAE]  }
0x30: {  	s3 =	sld [smem:$0x3FB1]  }
0x31: {  	[smem:$0x3FBA] =	sst s10  }
0x32: {  	s10 =	sld [smem:$0x3FB8];
	_ =	sdelay $0x3  }
0x33: {  	p0 =	seq.s32 s10, $0x1;
	s10 =	sld [smem:$0x3FBA];
	_ =	sdelay $0x3  }
0x34: {  	[smem:$0x3FBA] =	sst s10  }
0x35: {  	s10 =	sld [smem:$0x3FB9];
	_ =	sdelay $0x3  }
0x36: {  	p1 =	seq.s32 s10, $0x1;
	s10 =	sld [smem:$0x3FBA];
	_ =	sdelay $0x3  }
0x37: {  	[smem:$0x3FBA] =	sst s10  }
0x38: {  	s10 =	sld [smem:$0x3FBB]  }
0x39: {  	_ = 	snop;
	(pc) =	sbr.ind lr, $3  }
0x3a: {  	_ = 	snop  }
0x3b: {  	_ = 	snop  }
0x3c: {  	p2 =	seq.s32 s10, $0x1;
	s10 =	sld [smem:$0x3FBA]  }
0x3d: {  	_ =	shalt  }
0x3e: {  	_ =	shalt  }
0x3f: {  	_ =	shalt  }
0x40: {  	_ =	shalt  }
0x41: {  	_ =	shalt  }
0x42: {  	_ =	shalt  }
0x43: {  	_ =	shalt  }
0x44: {  	_ =	shalt  }
0x45: {  	_ =	shalt  }
0x46: {  	_ =	shalt  }
0x47: {  	_ =	shalt  }
0x48: {  	_ =	shalt  }
0x49: {  	_ =	shalt  }
0x4a: {  	_ =	shalt  }
0x4b: {  	_ =	shalt  }
0x4c: {  	_ =	shalt  }
0x4d: {  	_ =	shalt  }
0x4e: {  	_ =	shalt  }
0x4f: {  	_ =	shalt  }
0x50: {  	_ =	shalt  }
0x51: {  	_ =	shalt  }
0x52: {  	_ =	shalt  }
0x53: {  	_ =	shalt  }
0x54: {  	_ =	shalt  }
0x55: {  	_ =	shalt  }
0x56: {  	_ =	shalt  }
0x57: {  	_ =	shalt  }
0x58: {  	_ =	shalt  }
0x59: {  	_ =	shalt  }
0x5a: {  	_ =	shalt  }
0x5b: {  	_ =	shalt  }
0x5c: {  	_ =	shalt  }
0x5d: {  	_ =	shalt  }
0x5e: {  	_ =	shalt  }
0x5f: {  	_ =	shalt  }
0x60: {  	_ =	shalt  }
0x61: {  	_ =	shalt  }
0x62: {  	_ =	shalt  }
0x63: {  	_ =	shalt  }
0x64: {  	_ =	shalt  }
0x65: {  	_ =	shalt  }
0x66: {  	_ =	shalt  }
0x67: {  	_ =	shalt  }
0x68: {  	_ =	shalt  }
0x69: {  	_ =	shalt  }
0x6a: {  	_ =	shalt  }
0x6b: {  	_ =	shalt  }
0x6c: {  	_ =	shalt  }
0x6d: {  	_ =	shalt  }
0x6e: {  	_ =	shalt  }
0x6f: {  	_ =	shalt  }
0x70: {  	_ =	shalt  }
0x71: {  	_ =	shalt  }
0x72: {  	_ =	shalt  }
0x73: {  	_ =	shalt  }
0x74: {  	_ =	shalt  }
0x75: {  	_ =	shalt  }
0x76: {  	_ =	shalt  }
0x77: {  	_ =	shalt  }
0x78: {  	_ =	shalt  }
0x79: {  	_ =	shalt  }
0x7a: {  	_ =	shalt  }
0x7b: {  	_ =	shalt  }
0x7c: {  	_ =	shalt  }
0x7d: {  	_ =	shalt  }
0x7e: {  	_ =	shalt  }
0x7f: {  	_ =	shalt  }
0x80: {  	_ =	shalt  }
0x81: {  	_ =	shalt  }
0x82: {  	_ =	shalt  }
0x83: {  	_ =	shalt  }
0x84: {  	_ =	shalt  }
0x85: {  	_ =	shalt  }
0x86: {  	_ =	shalt  }
0x87: {  	_ =	shalt  }
.Lfunc_end0:
.L_simem_size_0:
called_computation_lowered:
.L_overlay_start_0:
0x88: {  	s2 =	sld [smem:$0x3FD9]  }
0x89: {  	s3 =	sld [smem:$0x3FFE];
	_ =	sdelay $0x1  }
0x8a: {  	s1 =	srdreg.scid  }
0x8b: {  	s0 =	sand.u32 $0x1, s1  }
0x8c: {  	s17 =	sshll.u32 s0, $0xA;
	s2 =	sadd.s32 s3, s2  }
0x8d: {  	s2 =	sadd.s32 s2, s17  }
0x8e: {  	[smem:$0x3FC6] =	sst s2  }
0x8f: {  	_ = 	snop  }
0x90: {  	s2 =	sld [smem:$0x3FD0];
	(tm) =	ssettm $0x1  }
0x91: {  	s18 =	sld [smem:$0x3FFB];
	_ =	sdelay $0x3  }
0x92: {  	_ =	strace s18  }
0x93: {  	s3 =	sld [smem:$0x3FFC];
	_ =	sdelay $0x3  }
0x94: {  	_ =	strace s3  }
0x95: {  	s3 =	sld [smem:$0x3FFD];
	_ =	sdelay $0x3  }
0x96: {  	_ =	strace s3  }
0x97: {  	_ =	strace $0x8FFFFFFF  }
0x98: {  	s19 =	sld [smem:$0x3FDB];
	_ =	sdelay $0x1  }
0x99: {  	s4 =	simm.s32 $_scs_section_size  }
0x9a: {  	s5 =	simm.s32 $_size__tile_overlayer_lowered;
	s6 =	simm.s32 $_tile_overlayer_lowered  }
0x9b: {  	s22 =	simm.s32 $0x1BFF;
	s21 =	sshll.u32 s6, $0x1;
	s3 =	sadd.s32 s4, s19  }
0x9c: {  	s7 =	simm.s32 $0x0;
	s20 =	sshll.u32 s5, $0x1;
	s5 =	sadd.s32 s21, s3  }
0x9d: {  	[timem:s7], [sflag:s22] =	dma.local [hbm:s5], s20  }
0x9e: {  	_ =	swait.ge [sflag:s22], s20  }
0x9f: {  	s4 =	ssub.s32 $0x0, s20;
	[sflag:s22] =	ssyncset.done $0x0  }
0xa0: {  	[sflag:s22] =	ssyncadd.s32 s4;
	_ =	sdelay $0x1  }
0xa1: {  	s23 =	simm.s32 $0x1B8B  }
0xa2: {  	_ =	swait.ge [sflag:s23], $0x1  }
0xa3: {  	[sflag:s23] =	ssyncset.done $0x0  }
0xa4: {  	s25 =	simm.s32 $0x1B8E;
	s24 =	sld [smem:$0x3FFE];
	[sflag:s23] =	ssyncadd.s32 $0xFFFFFFFF  }
0xa5: {  	s26 =	simm.s32 $execute0_lowered;
	[smem:$0x3FD2] =	sst s25  }
0xa6: {  	s5 =	sshll.u32 s26, $0x1;
	_ =	strace $0x80000046;
	[dreg:$0x1] =	wrdreg $0xFFFFFFFF  }
0xa7: {  	s28 =	simm.s32 $_size_execute0_lowered;
	s3 =	sadd.s32 s3, s5;
	[dreg:$0x0] =	wrdreg $0x0  }
0xa8: {  	s5 =	sshll.u32 s28, $0x1;
	[dreg:$0x2] =	wrdreg s3  }
0xa9: {  	[dreg:$0x3] =	wrdreg s5  }
0xaa: {  	[dreg:$0x4] =	wrdreg $0xC0  }
0xab: {  	_ =	task [dreg:s7], $0x5FFFF  }
0xac: {  	[dreg:$0x1] =	wrdreg $0xFFFFFFFF  }
0xad: {  	[dreg:$0x0] =	wrdreg $0x60  }
0xae: {  	[dreg:$0x2] =	wrdreg s24  }
0xaf: {  	[dreg:$0x3] =	wrdreg s2  }
0xb0: {  	[dreg:$0x4] =	wrdreg $0x108000  }
0xb1: {  	[dreg:$0x5] =	wrdreg $0x9  }
0xb2: {  	_ =	task.clear_ibuf [dreg:s7], $0x6FFFF;
	_ =	strace $0x90000046  }
0xb3: {  	s29 =	simm.s32 $0x9;
	_ =	strace $0x80000048  }
0xb4: {  	_ =	swait.ge [sflag:s29], $0x1  }
0xb5: {  	[sflag:s29] =	ssyncadd.s32 $0xFFFFFFFF  }
0xb6: {  	_ =	strace $0x90000048  }
0xb7: {  	_ =	sfence  }
0xb8: {  	s30 =	sld [smem:$0x0];
	_ =	sdelay $0x2  }
0xb9: {  	s31 =	sshll.u32 s1, $0xD;
	s1 =	sshrl.u32 s1, $0x2  }
0xba: {  	s3 =	sand.u32 $0x4000, s31;
	s1 =	sadd.s32 s1, s30  }
0xbb: {  	s0 =	sor.u32 s3, s0;
	s1 =	sshll.u32 s1, $0x11  }
0xbc: {  	s0 =	sor.u32 s1, s0  }
0xbd: {  	s0 =	sadd.s32 $0x8F2B, s0  }
0xbe: {  	[sflag:s0] =	ssyncadd.remote.s32 $0x1  }
0xbf: {  	_ =	sfence.sel $0xFFFF  }
0xc0: {  	[dreg:$0x0] =	wrdreg $0xFFFFFFFF;
	(pc) =	sbr.abs _section_cstart, $3  }
0xc1: {  	[dreg:$0x1] =	wrdreg $0xFFFFFFFF  }
0xc2: {  	_ =	task.clear_ibuf [dreg:s7], $0x2FFFF;
	_ =	strace $0x9FFFFFFF  }
0xc3: {  	(tm) =	ssettm $0x7FFFFFFF  }
tec
execute0_lowered:
.L_overlay_start_1:
0x0: {  	(tag) =	ssettag $0x1  }
0x1: {  	s0 =	rddreg [dreg:$0x0]  }
0x2: {  	s2 =	rddreg [dreg:$0x1]  }
0x3: {  	s6 =	rddreg [dreg:$0x2]  }
0x4: {  	s4 =	srdreg.scid;
	s1 =	stileid.u32  }
0x5: {  	s3 =	simm.s32 $0x0;
	s4 =	sand.u32 $0x1, s4;
	s5 =	sshll.u32 s1, $0x1  }
0x6: {  	[smem:$0x7FF] =	sst s3;
	s28 =	sshll.u32 s1, $0xF;
	s8 =	sor.u32 s4, s5  }
0x7: {  	_ =	strace $0x80000047;
	s7 =	ssub.s32 $0x2, s4;
	s4 =	sadd.s32 $0x800, s0  }
0x8: {  	s5 =	sshll.u32 s8, $0x8;
	s10 =	sshrl.u32 s7, $0x1;
	s11 =	sshll.u32 s8, $0x11  }
0x9: {  	s9 =	sadd.s32 s5, s0;
	s5 =	sadd.s32 $0x3800, s0;
	s10 =	ssub.s32 s7, s10  }
0xa: {  	s7 =	sadd.s32 $0x900, s0;
	s29 =	sadd.s32 s11, s2;
	s26 =	sadd.s32 $0x1800, s9  }
0xb: {  	s9 =	sadd.s32 s28, s6;
	s0 =	sadd.s32 $0x1F800, s29;
	[dreg:$0x4] =	wrdreg s26  }
0xc: {  	v2 =	vlaneseq.u32;
	s30 =	smax.u32 s10, $0x1;
	s6 =	sadd.s32 $0x4000, s9;
	[dreg:$0x5] =	wrdreg s0  }
0xd: {  	vm0 =	vmmov $0xffff;
	v1 =	vshrl.u32 v2, $0x3;
	[dreg:$0x6] =	wrdreg s30;
	s31 =	sshrl.u32 s6, $0x3  }
0xe: {  	v0 =	vand.u32 $0x7, v2;
	v2 =	vor.u32 $0x8, v2;
	v1 =	vmul.u32 $0x8, v1;
	s8 =	sshll.u32 s8, $0x14;
	s2 =	simm.s32 $0x0;
	[dreg:$0x7] =	wrdreg s31  }
.LBB2_1:
0xf: {  	[dreg:$0x8] =	wrdreg s2  }
0x10: {  	s0 =	rddreg [dreg:$0x4];
	s1 =	simm.s32 $0x8000;
	s21 =	simm.s32 $0x9  }
0x11: {  	[tilespmem:s1], [sflag:$0x9] =	stream.linear.gather [hbm4b:s0+s3], $0x800, $0x38;
	[tilespmem:$0x18800] =	vst v63  }
0x12: {  	_ =	swait.ge [sflag:s21], $0x800  }
0x13: {  	[sflag:s21] =	ssyncset.done $0x0  }
0x14: {  	[sflag:s21] =	ssyncadd.s32 $0xFFFFF800  }
0x15: {  	[tilespmem:s3], [sflag:$0x5] =	stream.linear.gather [hbm4b:s5+s3], $0x4000, $0x38;
	[tilespmem:$0x18800] =	vst v63  }
0x16: {  	v3 =	vld [tilespmem:$0x8000];
	_ =	sdelay $0x4  }
0x17: {  	v4 =	vshll.u32 v3, $0x2  }
0x18: {  	v3 =	vand.u32 $0x7, v3;
	v4 =	vand.u32 $0xFFFFFFE0, v4  }
0x19: {  	v3 =	vor.u32 v3, v4  }
0x1a: {  	v4 =	vperm.xlane v3, v0;
	_ =	sdelay $0x1  }
0x1b: {  	v4 =	vadd.s32 v1, v4;
	_ =	sdelay $0x1  }
0x1c: {  	v3 =	vperm.xlane v3, v2;
	_ =	sdelay $0x1  }
0x1d: {  	s22 =	simm.s32 $0x8800;
	v3 =	vadd.s32 v1, v3  }
0x1e: {  	[tilespmem:s22], [sflag:$0x1] =	stream.indirect_vreg.gather [hbm4b:s4+s3], $0x80, v4, vm0, $0xb8;
	[tilespmem:$0x18800] =	vst v63  }
0x1f: {  	s23 =	simm.s32 $0x9000  }
0x20: {  	[tilespmem:s23], [sflag:$0x1] =	stream.indirect_vreg.gather [hbm4b:s7+s3], $0x80, v4, vm0, $0xb8;
	[tilespmem:$0x18800] =	vst v63  }
0x21: {  	s24 =	simm.s32 $0x9800  }
0x22: {  	[tilespmem:s24], [sflag:$0x1] =	stream.indirect_vreg.gather [hbm4b:s4+s3], $0x80, v3, vm0, $0xb8;
	[tilespmem:$0x18800] =	vst v63  }
0x23: {  	s25 =	simm.s32 $0xA000  }
0x24: {  	[tilespmem:s25], [sflag:$0x1] =	stream.indirect_vreg.gather [hbm4b:s7+s3], $0x80, v3, vm0, $0xb8;
	[tilespmem:$0x18800] =	vst v63  }
0x25: {  	v3 =	vld [tilespmem:$0x8010];
	_ =	sdelay $0x4  }
0x26: {  	v63 =	vshll.u32 v3, $0x2  }
0x27: {  	v3 =	vand.u32 $0x7, v3;
	v4 =	vand.u32 $0xFFFFFFE0, v63  }
0x28: {  	v3 =	vor.u32 v3, v4  }
0x29: {  	v4 =	vperm.xlane v3, v0;
	_ =	sdelay $0x1  }
0x2a: {  	v4 =	vadd.s32 v1, v4;
	_ =	sdelay $0x1  }
0x2b: {  	v3 =	vperm.xlane v3, v2;
	_ =	sdelay $0x1  }
0x2c: {  	s26 =	simm.s32 $0xA800;
	v3 =	vadd.s32 v1, v3  }
0x2d: {  	[tilespmem:s26], [sflag:$0x1] =	stream.indirect_vreg.gather [hbm4b:s4+s3], $0x80, v4, vm0, $0xb8;
	[tilespmem:$0x18800] =	vst v63  }
0x2e: {  	s29 =	simm.s32 $0xB000  }
0x2f: {  	[tilespmem:s29], [sflag:$0x1] =	stream.indirect_vreg.gather [hbm4b:s7+s3], $0x80, v4, vm0, $0xb8;
	[tilespmem:$0x18800] =	vst v63  }
0x30: {  	s30 =	simm.s32 $0xB800  }
0x31: {  	[tilespmem:s30], [sflag:$0x1] =	stream.indirect_vreg.gather [hbm4b:s4+s3], $0x80, v3, vm0, $0xb8;
	[tilespmem:$0x18800] =	vst v63  }
0x32: {  	s31 =	simm.s32 $0xC000;
	s28 =	simm.s32 $0x0  }
0x33: {  	[tilespmem:s31], [sflag:$0x1] =	stream.indirect_vreg.gather [hbm4b:s7+s3], $0x80, v3, vm0, $0xb8;
	[tilespmem:$0x18800] =	vst v63  }
.LBB2_2:
0x34: {  	p0 =	seq.s32 s28, $0x0  }
0x35: {  	s0 =	sadd.s32 @!p0 $0xFFFFFFFF, s28  }
0x36: {  	s1 =	stileid.u32;
	s6 =	sand.u32 @!p0 $0x1, s0  }
0x37: {  	s11 =	sand.u32 @!p0 $0x3, s28;
	s12 =	sshll.u32 @!p0 s0, $0x12;
	s10 =	sadd.s32 @!p0 $0x7, s6  }
0x38: {  	s0 =	sshll.u32 @!p0 s0, $0xC;
	p1 =	sne.s32 @!p0 s11, $0x0;
	_ =	swait.ge @!p0 [sflag:s10], $0x4000  }
0x39: {  	s12 =	sand.u32 @!p0 $0xC0000, s12;
	s0 =	sand.u32 @!p0 $0x7FFFC000, s0;
	[sflag:s10] =	ssyncset.done @!p0 $0x0  }
0x3a: {  	[sflag:s10] =	ssyncadd.s32 @!p0 $0xFFFFC000;
	s10 =	sor.u32 @!p0 s8, s12;
	s12 =	sshll.u32 @!p0 s6, $0xE  }
0x3b: {  	s0 =	sadd.s32 @!p0 s0, s10;
	s10 =	sshll.u32 @!p0 s1, $0x6;
	s1 =	rddreg [dreg:$0x1]  }
0x3c: {  	s6 =	sor.u32 @!p0 s10, s6;
	s10 =	sadd.s32 @!p0 s12, s9;
	s0 =	sshrl.u32 @!p0 s0, $0x3  }
0x3d: {  	s0 =	sadd.s32 @!p0 s1, s0;
	s6 =	sadd.s32 @!p0 $0x1C03, s6;
	s10 =	sshrl.u32 @!p0 s10, $0x3  }
0x3e: {  	[hbm:s0], [sflag:s6] =	dma.local @!p0 [spmem:s10], $0x800  }
0x3f: {  	p0 =	por p0, !p1  }
0x40: {  	p1 =	sgt.u32 @p0 s28, $0x3B  }
0x41: {  	s0 =	sshrl.u32 s28, $0x2;
	p1 =	por !p0, p1  }
.Ltmp0:
0x42: {  	s6 =	sand.u32 @p0 $0x1, s0;
	(pc) =	sbr.rel @p1 .LBB2_4-.Ltmp0, $4  }
0x43: {  	s6 =	sadd.s32 @p0 $0x5, s6  }
0x44: {  	_ =	swait.ge @p0 [sflag:s6], $0x4000  }
0x45: {  	[sflag:s6] =	ssyncset.done @p0 $0x0  }
0x46: {  	[sflag:s6] =	ssyncadd.s32 @p0 $0xFFFFC000  }
.Ltmp1:
0x47: {  	(pc) =	sbr.rel .LBB2_5-.Ltmp1, $4  }
0x48: {  	s6 =	sadd.s32 $0x1, s0  }
0x49: {  	s10 =	sand.u32 $0x1, s6;
	s6 =	sshll.u32 s6, $0xB  }
0x4a: {  	s11 =	sshll.u32 s10, $0xE;
	s10 =	sadd.s32 $0x5, s10;
	s6 =	sadd.s32 s5, s6  }
0x4b: {  	[tilespmem:s11], [sflag:s10] =	stream.linear.gather [hbm4b:s6+s3], $0x4000, $0x38;
	[tilespmem:$0x18800] =	vst v63  }
.LBB2_4:
0x4c: {  	p0 =	seq.s32 s28, $0x3F  }
.Ltmp2:
0x4d: {  	_ = 	snop;
	(pc) =	sbr.rel @p0 .LBB2_6-.Ltmp2, $2  }
0x4e: {  	_ =	sdelay $0x2  }
0x4f: {  	s29 =	simm.s32 $0x40  }
.LBB2_5:
0x50: {  	s29 =	sadd.s32 $0x1, s28  }
0x51: {  	s6 =	sshll.u32 s29, $0x9;
	s10 =	sshll.u32 s29, $0x3  }
0x52: {  	s6 =	sand.u32 $0x600, s6;
	s10 =	sand.u32 $0x3E0, s10  }
0x53: {  	s6 =	sadd.s32 s10, s6  }
0x54: {  	v3 =	vld [tilespmem:s6+$0x8000];
	_ =	sdelay $0x4  }
0x55: {  	v4 =	vshll.u32 v3, $0x2  }
0x56: {  	v3 =	vand.u32 $0x7, v3;
	v4 =	vand.u32 $0xFFFFFFE0, v4  }
0x57: {  	v3 =	vor.u32 v3, v4  }
0x58: {  	v4 =	vperm.xlane v3, v0;
	_ =	sdelay $0x1  }
0x59: {  	v4 =	vadd.s32 v1, v4;
	_ =	sdelay $0x1  }
0x5a: {  	s21 =	sand.u32 $0x1, s29;
	v3 =	vperm.xlane v3, v2  }
0x5b: {  	s11 =	sshll.u32 s21, $0xE  }
0x5c: {  	s12 =	sor.u32 $0x8800, s11;
	s10 =	sadd.s32 $0x1, s21;
	v3 =	vadd.s32 v1, v3  }
0x5d: {  	[tilespmem:s12], [sflag:s10] =	stream.indirect_vreg.gather [hbm4b:s4+s3], $0x80, v4, vm0, $0xb8;
	[tilespmem:$0x18800] =	vst v63  }
0x5e: {  	s22 =	sor.u32 $0x9000, s11  }
0x5f: {  	[tilespmem:s22], [sflag:s10] =	stream.indirect_vreg.gather [hbm4b:s7+s3], $0x80, v4, vm0, $0xb8;
	[tilespmem:$0x18800] =	vst v63  }
0x60: {  	s23 =	sor.u32 $0x9800, s11  }
0x61: {  	[tilespmem:s23], [sflag:s10] =	stream.indirect_vreg.gather [hbm4b:s4+s3], $0x80, v3, vm0, $0xb8;
	[tilespmem:$0x18800] =	vst v63  }
0x62: {  	s24 =	sor.u32 $0xA000, s11  }
0x63: {  	[tilespmem:s24], [sflag:s10] =	stream.indirect_vreg.gather [hbm4b:s7+s3], $0x80, v3, vm0, $0xb8;
	[tilespmem:$0x18800] =	vst v63  }
0x64: {  	v3 =	vld [tilespmem:s6+$0x8010];
	_ =	sdelay $0x4  }
0x65: {  	v63 =	vshll.u32 v3, $0x2  }
0x66: {  	v3 =	vand.u32 $0x7, v3;
	v4 =	vand.u32 $0xFFFFFFE0, v63  }
0x67: {  	v3 =	vor.u32 v3, v4  }
0x68: {  	v4 =	vperm.xlane v3, v0;
	_ =	sdelay $0x1  }
0x69: {  	v4 =	vadd.s32 v1, v4;
	_ =	sdelay $0x1  }
0x6a: {  	v3 =	vperm.xlane v3, v2;
	_ =	sdelay $0x1  }
0x6b: {  	s25 =	sor.u32 $0xA800, s11;
	v3 =	vadd.s32 v1, v3  }
0x6c: {  	[tilespmem:s25], [sflag:s10] =	stream.indirect_vreg.gather [hbm4b:s4+s3], $0x80, v4, vm0, $0xb8;
	[tilespmem:$0x18800] =	vst v63  }
0x6d: {  	s26 =	sor.u32 $0xB000, s11  }
0x6e: {  	[tilespmem:s26], [sflag:s10] =	stream.indirect_vreg.gather [hbm4b:s7+s3], $0x80, v4, vm0, $0xb8;
	[tilespmem:$0x18800] =	vst v63  }
0x6f: {  	s30 =	sor.u32 $0xB800, s11  }
0x70: {  	[tilespmem:s30], [sflag:s10] =	stream.indirect_vreg.gather [hbm4b:s4+s3], $0x80, v3, vm0, $0xb8;
	[tilespmem:$0x18800] =	vst v63  }
0x71: {  	s31 =	sadd.s32 $0xC000, s11  }
0x72: {  	[tilespmem:s31], [sflag:s10] =	stream.indirect_vreg.gather [hbm4b:s7+s3], $0x80, v3, vm0, $0xb8;
	[tilespmem:$0x18800] =	vst v63  }
.LBB2_6:
0x73: {  	s30 =	sand.u32 $0x1, s28;
	s0 =	sshll.u32 s0, $0xE  }
0x74: {  	s10 =	simm.s32 $0x0;
	s6 =	sadd.s32 $0x1, s30;
	s12 =	sand.u32 $0x4000, s0  }
0x75: {  	s11 =	sand.u32 $0x3000, s10;
	s13 =	sand.u32 $0x200, s10;
	_ =	swait.ge [sflag:s6], $0x4000  }
0x76: {  	s24 =	sadd.s32 s11, s12;
	s17 =	sor.u32 $0x180, s13;
	[sflag:s6] =	ssyncset.done $0x0  }
0x77: {  	s25 =	sadd.s32 s17, s24;
	[sflag:s6] =	ssyncadd.s32 $0xFFFFC000  }
0x78: {  	s18 =	sor.u32 $0x80, s13;
	s14 =	sadd.s32 s13, s24;
	v3 =	vld [tilespmem:s25+$0x0]  }
0x79: {  	s31 =	sshll.u32 s30, $0xE;
	s15 =	sadd.s32 s18, s24;
	v4 =	vld [tilespmem:s14+$0x0]  }
0x7a: {  	s0 =	sor.u32 $0x8800, s31;
	s19 =	sor.u32 $0x100, s13;
	v5 =	vld [tilespmem:s15+$0x0]  }
0x7b: {  	s16 =	sadd.s32 s19, s24;
	s11 =	sadd.s32 s11, s0  }
0x7c: {  	s26 =	sadd.s32 s17, s11;
	v6 =	vld [tilespmem:s16+$0x0]  }
0x7d: {  	s17 =	sadd.s32 s13, s11;
	[tilespmem:s26+$0x0] =	vst.add.f32.msk $0xffff, v3  }
0x7e: {  	s18 =	sadd.s32 s18, s11;
	[tilespmem:s17+$0x0] =	vst.add.f32.msk $0xffff, v4  }
0x7f: {  	[tilespmem:s18+$0x0] =	vst.add.f32.msk $0xffff, v5  }
0x80: {  	v3 =	vld [tilespmem:s25+$0x10]  }
0x81: {  	v4 =	vld [tilespmem:s14+$0x10]  }
0x82: {  	s19 =	sadd.s32 s19, s11;
	v5 =	vld [tilespmem:s15+$0x10]  }
0x83: {  	[tilespmem:s19+$0x0] =	vst.add.f32.msk $0xffff, v6  }
0x84: {  	v6 =	vld [tilespmem:s16+$0x10]  }
0x85: {  	[tilespmem:s26+$0x10] =	vst.add.f32.msk $0xffff, v3  }
0x86: {  	[tilespmem:s17+$0x10] =	vst.add.f32.msk $0xffff, v4  }
0x87: {  	[tilespmem:s18+$0x10] =	vst.add.f32.msk $0xffff, v5  }
0x88: {  	v3 =	vld [tilespmem:s25+$0x20]  }
0x89: {  	v4 =	vld [tilespmem:s14+$0x20]  }
0x8a: {  	v5 =	vld [tilespmem:s15+$0x20]  }
0x8b: {  	[tilespmem:s19+$0x10] =	vst.add.f32.msk $0xffff, v6  }
0x8c: {  	v6 =	vld [tilespmem:s16+$0x20]  }
0x8d: {  	[tilespmem:s26+$0x20] =	vst.add.f32.msk $0xffff, v3  }
0x8e: {  	[tilespmem:s17+$0x20] =	vst.add.f32.msk $0xffff, v4  }
0x8f: {  	[tilespmem:s18+$0x20] =	vst.add.f32.msk $0xffff, v5  }
0x90: {  	v3 =	vld [tilespmem:s25+$0x30]  }
0x91: {  	v4 =	vld [tilespmem:s14+$0x30]  }
0x92: {  	v5 =	vld [tilespmem:s15+$0x30]  }
0x93: {  	[tilespmem:s19+$0x20] =	vst.add.f32.msk $0xffff, v6  }
0x94: {  	v6 =	vld [tilespmem:s16+$0x30]  }
0x95: {  	[tilespmem:s26+$0x30] =	vst.add.f32.msk $0xffff, v3  }
0x96: {  	[tilespmem:s17+$0x30] =	vst.add.f32.msk $0xffff, v4  }
0x97: {  	[tilespmem:s18+$0x30] =	vst.add.f32.msk $0xffff, v5  }
0x98: {  	v3 =	vld [tilespmem:s25+$0x40]  }
0x99: {  	v4 =	vld [tilespmem:s14+$0x40]  }
0x9a: {  	v5 =	vld [tilespmem:s15+$0x40]  }
0x9b: {  	[tilespmem:s19+$0x30] =	vst.add.f32.msk $0xffff, v6  }
0x9c: {  	v6 =	vld [tilespmem:s16+$0x40]  }
0x9d: {  	[tilespmem:s26+$0x40] =	vst.add.f32.msk $0xffff, v3  }
0x9e: {  	[tilespmem:s17+$0x40] =	vst.add.f32.msk $0xffff, v4  }
0x9f: {  	[tilespmem:s18+$0x40] =	vst.add.f32.msk $0xffff, v5  }
0xa0: {  	v3 =	vld [tilespmem:s25+$0x50]  }
0xa1: {  	v4 =	vld [tilespmem:s14+$0x50]  }
0xa2: {  	v5 =	vld [tilespmem:s15+$0x50]  }
0xa3: {  	[tilespmem:s19+$0x40] =	vst.add.f32.msk $0xffff, v6  }
0xa4: {  	v6 =	vld [tilespmem:s16+$0x50]  }
0xa5: {  	[tilespmem:s26+$0x50] =	vst.add.f32.msk $0xffff, v3  }
0xa6: {  	[tilespmem:s17+$0x50] =	vst.add.f32.msk $0xffff, v4  }
0xa7: {  	[tilespmem:s18+$0x50] =	vst.add.f32.msk $0xffff, v5  }
0xa8: {  	v3 =	vld [tilespmem:s25+$0x60]  }
0xa9: {  	v4 =	vld [tilespmem:s14+$0x60]  }
0xaa: {  	v5 =	vld [tilespmem:s15+$0x60]  }
0xab: {  	[tilespmem:s19+$0x50] =	vst.add.f32.msk $0xffff, v6  }
0xac: {  	v6 =	vld [tilespmem:s16+$0x60]  }
0xad: {  	[tilespmem:s26+$0x60] =	vst.add.f32.msk $0xffff, v3  }
0xae: {  	[tilespmem:s17+$0x60] =	vst.add.f32.msk $0xffff, v4  }
0xaf: {  	[tilespmem:s18+$0x60] =	vst.add.f32.msk $0xffff, v5  }
0xb0: {  	v3 =	vld [tilespmem:s25+$0x70]  }
0xb1: {  	v4 =	vld [tilespmem:s14+$0x70]  }
0xb2: {  	v5 =	vld [tilespmem:s15+$0x70]  }
0xb3: {  	[tilespmem:s19+$0x60] =	vst.add.f32.msk $0xffff, v6  }
0xb4: {  	v6 =	vld [tilespmem:s16+$0x70]  }
0xb5: {  	[tilespmem:s26+$0x70] =	vst.add.f32.msk $0xffff, v3  }
0xb6: {  	[tilespmem:s17+$0x70] =	vst.add.f32.msk $0xffff, v4  }
0xb7: {  	[tilespmem:s18+$0x70] =	vst.add.f32.msk $0xffff, v5  }
0xb8: {  	v3 =	vld [tilespmem:s25+$0x400]  }
0xb9: {  	v4 =	vld [tilespmem:s14+$0x400]  }
0xba: {  	v5 =	vld [tilespmem:s15+$0x400]  }
0xbb: {  	[tilespmem:s19+$0x70] =	vst.add.f32.msk $0xffff, v6  }
0xbc: {  	v6 =	vld [tilespmem:s16+$0x400]  }
0xbd: {  	[tilespmem:s26+$0x400] =	vst.add.f32.msk $0xffff, v3  }
0xbe: {  	[tilespmem:s17+$0x400] =	vst.add.f32.msk $0xffff, v4  }
0xbf: {  	[tilespmem:s18+$0x400] =	vst.add.f32.msk $0xffff, v5  }
0xc0: {  	v3 =	vld [tilespmem:s25+$0x410]  }
0xc1: {  	v4 =	vld [tilespmem:s14+$0x410]  }
0xc2: {  	v5 =	vld [tilespmem:s15+$0x410]  }
0xc3: {  	[tilespmem:s19+$0x400] =	vst.add.f32.msk $0xffff, v6  }
0xc4: {  	v6 =	vld [tilespmem:s16+$0x410]  }
0xc5: {  	[tilespmem:s26+$0x410] =	vst.add.f32.msk $0xffff, v3  }
0xc6: {  	[tilespmem:s17+$0x410] =	vst.add.f32.msk $0xffff, v4  }
0xc7: {  	[tilespmem:s18+$0x410] =	vst.add.f32.msk $0xffff, v5  }
0xc8: {  	v3 =	vld [tilespmem:s25+$0x420]  }
0xc9: {  	v4 =	vld [tilespmem:s14+$0x420]  }
0xca: {  	v5 =	vld [tilespmem:s15+$0x420]  }
0xcb: {  	[tilespmem:s19+$0x410] =	vst.add.f32.msk $0xffff, v6  }
0xcc: {  	v6 =	vld [tilespmem:s16+$0x420]  }
0xcd: {  	[tilespmem:s26+$0x420] =	vst.add.f32.msk $0xffff, v3  }
0xce: {  	[tilespmem:s17+$0x420] =	vst.add.f32.msk $0xffff, v4  }
0xcf: {  	[tilespmem:s18+$0x420] =	vst.add.f32.msk $0xffff, v5  }
0xd0: {  	v3 =	vld [tilespmem:s25+$0x430]  }
0xd1: {  	v4 =	vld [tilespmem:s14+$0x430]  }
0xd2: {  	[tilespmem:s19+$0x420] =	vst.add.f32.msk $0xffff, v6  }
0xd3: {  	v5 =	vld [tilespmem:s15+$0x430]  }
0xd4: {  	v6 =	vld [tilespmem:s16+$0x430]  }
0xd5: {  	[tilespmem:s26+$0x430] =	vst.add.f32.msk $0xffff, v3  }
0xd6: {  	[tilespmem:s17+$0x430] =	vst.add.f32.msk $0xffff, v4  }
0xd7: {  	v3 =	vld [tilespmem:s25+$0x440]  }
0xd8: {  	[tilespmem:s18+$0x430] =	vst.add.f32.msk $0xffff, v5  }
0xd9: {  	[tilespmem:s19+$0x430] =	vst.add.f32.msk $0xffff, v6  }
0xda: {  	v4 =	vld [tilespmem:s14+$0x440]  }
0xdb: {  	v5 =	vld [tilespmem:s15+$0x440]  }
0xdc: {  	[tilespmem:s26+$0x440] =	vst.add.f32.msk $0xffff, v3  }
0xdd: {  	v3 =	vld [tilespmem:s25+$0x450]  }
0xde: {  	v6 =	vld [tilespmem:s16+$0x440]  }
0xdf: {  	[tilespmem:s17+$0x440] =	vst.add.f32.msk $0xffff, v4  }
0xe0: {  	[tilespmem:s18+$0x440] =	vst.add.f32.msk $0xffff, v5  }
0xe1: {  	v4 =	vld [tilespmem:s14+$0x450]  }
0xe2: {  	[tilespmem:s26+$0x450] =	vst.add.f32.msk $0xffff, v3  }
0xe3: {  	v3 =	vld [tilespmem:s25+$0x460]  }
0xe4: {  	[tilespmem:s19+$0x440] =	vst.add.f32.msk $0xffff, v6  }
0xe5: {  	v5 =	vld [tilespmem:s15+$0x450]  }
0xe6: {  	v6 =	vld [tilespmem:s16+$0x450]  }
0xe7: {  	[tilespmem:s17+$0x450] =	vst.add.f32.msk $0xffff, v4  }
0xe8: {  	[tilespmem:s26+$0x460] =	vst.add.f32.msk $0xffff, v3  }
0xe9: {  	v3 =	vld [tilespmem:s25+$0x470]  }
0xea: {  	[tilespmem:s18+$0x450] =	vst.add.f32.msk $0xffff, v5  }
0xeb: {  	[tilespmem:s19+$0x450] =	vst.add.f32.msk $0xffff, v6  }
0xec: {  	v4 =	vld [tilespmem:s14+$0x460]  }
0xed: {  	v5 =	vld [tilespmem:s15+$0x460]  }
0xee: {  	[tilespmem:s26+$0x470] =	vst.add.f32.msk $0xffff, v3  }
0xef: {  	v3 =	vld [tilespmem:s25+$0x800]  }
0xf0: {  	v6 =	vld [tilespmem:s16+$0x460]  }
0xf1: {  	[tilespmem:s17+$0x460] =	vst.add.f32.msk $0xffff, v4  }
0xf2: {  	[tilespmem:s18+$0x460] =	vst.add.f32.msk $0xffff, v5  }
0xf3: {  	v4 =	vld [tilespmem:s14+$0x470]  }
0xf4: {  	[tilespmem:s26+$0x800] =	vst.add.f32.msk $0xffff, v3  }
0xf5: {  	v3 =	vld [tilespmem:s25+$0x810]  }
0xf6: {  	[tilespmem:s19+$0x460] =	vst.add.f32.msk $0xffff, v6  }
0xf7: {  	v5 =	vld [tilespmem:s15+$0x470]  }
0xf8: {  	v6 =	vld [tilespmem:s16+$0x470]  }
0xf9: {  	[tilespmem:s17+$0x470] =	vst.add.f32.msk $0xffff, v4  }
0xfa: {  	[tilespmem:s26+$0x810] =	vst.add.f32.msk $0xffff, v3  }
0xfb: {  	v3 =	vld [tilespmem:s25+$0x820]  }
0xfc: {  	[tilespmem:s18+$0x470] =	vst.add.f32.msk $0xffff, v5  }
0xfd: {  	[tilespmem:s19+$0x470] =	vst.add.f32.msk $0xffff, v6  }
0xfe: {  	v4 =	vld [tilespmem:s14+$0x800]  }
0xff: {  	v5 =	vld [tilespmem:s15+$0x800]  }
0x100: {  	[tilespmem:s26+$0x820] =	vst.add.f32.msk $0xffff, v3  }
0x101: {  	v3 =	vld [tilespmem:s25+$0x830]  }
0x102: {  	v6 =	vld [tilespmem:s16+$0x800]  }
0x103: {  	[tilespmem:s17+$0x800] =	vst.add.f32.msk $0xffff, v4  }
0x104: {  	[tilespmem:s18+$0x800] =	vst.add.f32.msk $0xffff, v5  }
0x105: {  	v4 =	vld [tilespmem:s14+$0x810]  }
0x106: {  	[tilespmem:s26+$0x830] =	vst.add.f32.msk $0xffff, v3  }
0x107: {  	v3 =	vld [tilespmem:s25+$0x840]  }
0x108: {  	[tilespmem:s19+$0x800] =	vst.add.f32.msk $0xffff, v6  }
0x109: {  	v5 =	vld [tilespmem:s15+$0x810]  }
0x10a: {  	v6 =	vld [tilespmem:s16+$0x810]  }
0x10b: {  	[tilespmem:s17+$0x810] =	vst.add.f32.msk $0xffff, v4  }
0x10c: {  	[tilespmem:s26+$0x840] =	vst.add.f32.msk $0xffff, v3  }
0x10d: {  	v3 =	vld [tilespmem:s25+$0x850]  }
0x10e: {  	[tilespmem:s18+$0x810] =	vst.add.f32.msk $0xffff, v5  }
0x10f: {  	[tilespmem:s19+$0x810] =	vst.add.f32.msk $0xffff, v6  }
0x110: {  	v4 =	vld [tilespmem:s14+$0x820]  }
0x111: {  	v5 =	vld [tilespmem:s15+$0x820]  }
0x112: {  	[tilespmem:s26+$0x850] =	vst.add.f32.msk $0xffff, v3  }
0x113: {  	v3 =	vld [tilespmem:s25+$0x860]  }
0x114: {  	v6 =	vld [tilespmem:s16+$0x820]  }
0x115: {  	[tilespmem:s17+$0x820] =	vst.add.f32.msk $0xffff, v4  }
0x116: {  	[tilespmem:s18+$0x820] =	vst.add.f32.msk $0xffff, v5  }
0x117: {  	v4 =	vld [tilespmem:s14+$0x830]  }
0x118: {  	[tilespmem:s26+$0x860] =	vst.add.f32.msk $0xffff, v3  }
0x119: {  	v3 =	vld [tilespmem:s25+$0x870]  }
0x11a: {  	[tilespmem:s19+$0x820] =	vst.add.f32.msk $0xffff, v6  }
0x11b: {  	v5 =	vld [tilespmem:s15+$0x830]  }
0x11c: {  	v6 =	vld [tilespmem:s16+$0x830]  }
0x11d: {  	[tilespmem:s17+$0x830] =	vst.add.f32.msk $0xffff, v4  }
0x11e: {  	[tilespmem:s26+$0x870] =	vst.add.f32.msk $0xffff, v3  }
0x11f: {  	v3 =	vld [tilespmem:s25+$0xC00]  }
0x120: {  	[tilespmem:s18+$0x830] =	vst.add.f32.msk $0xffff, v5  }
0x121: {  	[tilespmem:s19+$0x830] =	vst.add.f32.msk $0xffff, v6  }
0x122: {  	v4 =	vld [tilespmem:s14+$0x840]  }
0x123: {  	v5 =	vld [tilespmem:s15+$0x840]  }
0x124: {  	[tilespmem:s26+$0xC00] =	vst.add.f32.msk $0xffff, v3  }
0x125: {  	v3 =	vld [tilespmem:s25+$0xC10]  }
0x126: {  	v6 =	vld [tilespmem:s16+$0x840]  }
0x127: {  	[tilespmem:s17+$0x840] =	vst.add.f32.msk $0xffff, v4  }
0x128: {  	[tilespmem:s18+$0x840] =	vst.add.f32.msk $0xffff, v5  }
0x129: {  	v4 =	vld [tilespmem:s15+$0x850]  }
0x12a: {  	[tilespmem:s26+$0xC10] =	vst.add.f32.msk $0xffff, v3  }
0x12b: {  	v3 =	vld [tilespmem:s25+$0xC20]  }
0x12c: {  	[tilespmem:s19+$0x840] =	vst.add.f32.msk $0xffff, v6  }
0x12d: {  	v5 =	vld [tilespmem:s16+$0x850]  }
0x12e: {  	[tilespmem:s18+$0x850] =	vst.add.f32.msk $0xffff, v4  }
0x12f: {  	v4 =	vld [tilespmem:s15+$0x860]  }
0x130: {  	[tilespmem:s26+$0xC20] =	vst.add.f32.msk $0xffff, v3  }
0x131: {  	v3 =	vld [tilespmem:s25+$0xC30]  }
0x132: {  	[tilespmem:s19+$0x850] =	vst.add.f32.msk $0xffff, v5  }
0x133: {  	v5 =	vld [tilespmem:s16+$0x860]  }
0x134: {  	[tilespmem:s18+$0x860] =	vst.add.f32.msk $0xffff, v4  }
0x135: {  	v4 =	vld [tilespmem:s15+$0x870]  }
0x136: {  	[tilespmem:s26+$0xC30] =	vst.add.f32.msk $0xffff, v3  }
0x137: {  	v3 =	vld [tilespmem:s14+$0x850]  }
0x138: {  	[tilespmem:s19+$0x860] =	vst.add.f32.msk $0xffff, v5  }
0x139: {  	v5 =	vld [tilespmem:s16+$0x870]  }
0x13a: {  	[tilespmem:s18+$0x870] =	vst.add.f32.msk $0xffff, v4  }
0x13b: {  	v4 =	vld [tilespmem:s15+$0xC00]  }
0x13c: {  	[tilespmem:s17+$0x850] =	vst.add.f32.msk $0xffff, v3  }
0x13d: {  	v3 =	vld [tilespmem:s14+$0x860]  }
0x13e: {  	[tilespmem:s19+$0x870] =	vst.add.f32.msk $0xffff, v5  }
0x13f: {  	v5 =	vld [tilespmem:s16+$0xC00]  }
0x140: {  	[tilespmem:s18+$0xC00] =	vst.add.f32.msk $0xffff, v4  }
0x141: {  	v4 =	vld [tilespmem:s15+$0xC10]  }
0x142: {  	[tilespmem:s17+$0x860] =	vst.add.f32.msk $0xffff, v3  }
0x143: {  	v3 =	vld [tilespmem:s14+$0x870]  }
0x144: {  	[tilespmem:s19+$0xC00] =	vst.add.f32.msk $0xffff, v5  }
0x145: {  	v5 =	vld [tilespmem:s16+$0xC10];
	_ =	sdelay $0x1  }
0x146: {  	[tilespmem:s18+$0xC10] =	vst.add.f32.msk $0xffff, v4  }
0x147: {  	[tilespmem:s17+$0x870] =	vst.add.f32.msk $0xffff, v3  }
0x148: {  	v3 =	vld [tilespmem:s14+$0xC00]  }
0x149: {  	[tilespmem:s19+$0xC10] =	vst.add.f32.msk $0xffff, v5  }
0x14a: {  	v4 =	vld [tilespmem:s15+$0xC20]  }
0x14b: {  	v5 =	vld [tilespmem:s16+$0xC20];
	_ =	sdelay $0x1  }
0x14c: {  	[tilespmem:s17+$0xC00] =	vst.add.f32.msk $0xffff, v3  }
0x14d: {  	v3 =	vld [tilespmem:s14+$0xC10]  }
0x14e: {  	[tilespmem:s18+$0xC20] =	vst.add.f32.msk $0xffff, v4  }
0x14f: {  	[tilespmem:s19+$0xC20] =	vst.add.f32.msk $0xffff, v5  }
0x150: {  	v4 =	vld [tilespmem:s15+$0xC30]  }
0x151: {  	v6 =	vld [tilespmem:s25+$0xC40]  }
0x152: {  	[tilespmem:s17+$0xC10] =	vst.add.f32.msk $0xffff, v3  }
0x153: {  	v3 =	vld [tilespmem:s14+$0xC20]  }
0x154: {  	v5 =	vld [tilespmem:s16+$0xC30]  }
0x155: {  	[tilespmem:s18+$0xC30] =	vst.add.f32.msk $0xffff, v4  }
0x156: {  	[tilespmem:s26+$0xC40] =	vst.add.f32.msk $0xffff, v6  }
0x157: {  	v6 =	vld [tilespmem:s25+$0xC50]  }
0x158: {  	[tilespmem:s17+$0xC20] =	vst.add.f32.msk $0xffff, v3  }
0x159: {  	v3 =	vld [tilespmem:s14+$0xC30]  }
0x15a: {  	[tilespmem:s19+$0xC30] =	vst.add.f32.msk $0xffff, v5  }
0x15b: {  	v4 =	vld [tilespmem:s15+$0xC40]  }
0x15c: {  	[tilespmem:s26+$0xC50] =	vst.add.f32.msk $0xffff, v6  }
0x15d: {  	v6 =	vld [tilespmem:s25+$0xC60]  }
0x15e: {  	[tilespmem:s17+$0xC30] =	vst.add.f32.msk $0xffff, v3  }
0x15f: {  	v3 =	vld [tilespmem:s14+$0xC40]  }
0x160: {  	v5 =	vld [tilespmem:s16+$0xC40]  }
0x161: {  	[tilespmem:s18+$0xC40] =	vst.add.f32.msk $0xffff, v4  }
0x162: {  	[tilespmem:s26+$0xC60] =	vst.add.f32.msk $0xffff, v6  }
0x163: {  	v6 =	vld [tilespmem:s25+$0xC70]  }
0x164: {  	[tilespmem:s17+$0xC40] =	vst.add.f32.msk $0xffff, v3  }
0x165: {  	v3 =	vld [tilespmem:s14+$0xC50]  }
0x166: {  	[tilespmem:s19+$0xC40] =	vst.add.f32.msk $0xffff, v5  }
0x167: {  	v5 =	vld [tilespmem:s15+$0xC50]  }
0x168: {  	v4 =	vld [tilespmem:s16+$0xC50]  }
0x169: {  	[tilespmem:s26+$0xC70] =	vst.add.f32.msk $0xffff, v6  }
0x16a: {  	[tilespmem:s17+$0xC50] =	vst.add.f32.msk $0xffff, v3  }
0x16b: {  	s20 =	simm.s32 $0x0;
	s21 =	simm.s32 $0x200;
	s6 =	simm.s32 $0x800;
	v3 =	vld [tilespmem:s14+$0xC60]  }
.LBB2_7:
0x16c: {  	s10 =	sand.u32 $0x3000, s6;
	s11 =	sand.u32 $0x200, s21;
	s20 =	sadd.s32 $0x4, s20;
	[tilespmem:s18+$0xC50] =	vst.add.f32.msk $0xffff, v5  }
0x16d: {  	s13 =	sadd.s32 s10, s12;
	s26 =	sor.u32 $0x180, s11;
	p0 =	slt.u32 s20, $0x1C;
	[tilespmem:s19+$0xC50] =	vst.add.f32.msk $0xffff, v4  }
0x16e: {  	s2 =	sor.u32 $0x80, s11;
	s1 =	sor.u32 $0x100, s11;
	s25 =	sadd.s32 s26, s13;
	v4 =	vld [tilespmem:s15+$0xC60]  }
0x16f: {  	s24 =	sadd.s32 s11, s13;
	s22 =	sadd.s32 s2, s13;
	s13 =	sadd.s32 s1, s13;
	v6 =	vld [tilespmem:s25+$0x0]  }
0x170: {  	v7 =	vld [tilespmem:s24+$0x0]  }
0x171: {  	v8 =	vld [tilespmem:s22+$0x0]  }
0x172: {  	s10 =	sadd.s32 s10, s0;
	v9 =	vld [tilespmem:s13+$0x0]  }
0x173: {  	s23 =	sadd.s32 s11, s10;
	s11 =	sadd.s32 s2, s10;
	s26 =	sadd.s32 s26, s10;
	v5 =	vld [tilespmem:s16+$0xC60]  }
0x174: {  	s10 =	sadd.s32 s1, s10;
	[tilespmem:s26+$0x0] =	vst.add.f32.msk $0xffff, v6  }
0x175: {  	v6 =	vld [tilespmem:s25+$0x10]  }
0x176: {  	[tilespmem:s23+$0x0] =	vst.add.f32.msk $0xffff, v7  }
0x177: {  	[tilespmem:s11+$0x0] =	vst.add.f32.msk $0xffff, v8  }
0x178: {  	[tilespmem:s10+$0x0] =	vst.add.f32.msk $0xffff, v9  }
0x179: {  	v7 =	vld [tilespmem:s24+$0x10]  }
0x17a: {  	[tilespmem:s26+$0x10] =	vst.add.f32.msk $0xffff, v6  }
0x17b: {  	v6 =	vld [tilespmem:s25+$0x20]  }
0x17c: {  	v8 =	vld [tilespmem:s22+$0x10]  }
0x17d: {  	v9 =	vld [tilespmem:s13+$0x10]  }
0x17e: {  	[tilespmem:s23+$0x10] =	vst.add.f32.msk $0xffff, v7  }
0x17f: {  	v7 =	vld [tilespmem:s24+$0x20]  }
0x180: {  	[tilespmem:s26+$0x20] =	vst.add.f32.msk $0xffff, v6  }
0x181: {  	v6 =	vld [tilespmem:s25+$0x30]  }
0x182: {  	[tilespmem:s11+$0x10] =	vst.add.f32.msk $0xffff, v8  }
0x183: {  	[tilespmem:s10+$0x10] =	vst.add.f32.msk $0xffff, v9  }
0x184: {  	v8 =	vld [tilespmem:s22+$0x20]  }
0x185: {  	v9 =	vld [tilespmem:s13+$0x20]  }
0x186: {  	[tilespmem:s26+$0x30] =	vst.add.f32.msk $0xffff, v6  }
0x187: {  	v6 =	vld [tilespmem:s25+$0x40]  }
0x188: {  	[tilespmem:s23+$0x20] =	vst.add.f32.msk $0xffff, v7  }
0x189: {  	[tilespmem:s11+$0x20] =	vst.add.f32.msk $0xffff, v8  }
0x18a: {  	[tilespmem:s10+$0x20] =	vst.add.f32.msk $0xffff, v9  }
0x18b: {  	v7 =	vld [tilespmem:s24+$0x30]  }
0x18c: {  	[tilespmem:s26+$0x40] =	vst.add.f32.msk $0xffff, v6  }
0x18d: {  	v6 =	vld [tilespmem:s25+$0x50]  }
0x18e: {  	v8 =	vld [tilespmem:s22+$0x30]  }
0x18f: {  	v9 =	vld [tilespmem:s13+$0x30]  }
0x190: {  	[tilespmem:s23+$0x30] =	vst.add.f32.msk $0xffff, v7  }
0x191: {  	v7 =	vld [tilespmem:s24+$0x40]  }
0x192: {  	[tilespmem:s26+$0x50] =	vst.add.f32.msk $0xffff, v6  }
0x193: {  	v6 =	vld [tilespmem:s25+$0x60]  }
0x194: {  	[tilespmem:s11+$0x30] =	vst.add.f32.msk $0xffff, v8  }
0x195: {  	[tilespmem:s10+$0x30] =	vst.add.f32.msk $0xffff, v9  }
0x196: {  	v8 =	vld [tilespmem:s22+$0x40]  }
0x197: {  	v9 =	vld [tilespmem:s13+$0x40]  }
0x198: {  	[tilespmem:s26+$0x60] =	vst.add.f32.msk $0xffff, v6  }
0x199: {  	v6 =	vld [tilespmem:s25+$0x70]  }
0x19a: {  	[tilespmem:s23+$0x40] =	vst.add.f32.msk $0xffff, v7  }
0x19b: {  	[tilespmem:s11+$0x40] =	vst.add.f32.msk $0xffff, v8  }
0x19c: {  	[tilespmem:s10+$0x40] =	vst.add.f32.msk $0xffff, v9  }
0x19d: {  	v7 =	vld [tilespmem:s24+$0x50]  }
0x19e: {  	[tilespmem:s26+$0x70] =	vst.add.f32.msk $0xffff, v6  }
0x19f: {  	v6 =	vld [tilespmem:s25+$0x400]  }
0x1a0: {  	v8 =	vld [tilespmem:s22+$0x50]  }
0x1a1: {  	v9 =	vld [tilespmem:s13+$0x50]  }
0x1a2: {  	[tilespmem:s23+$0x50] =	vst.add.f32.msk $0xffff, v7  }
0x1a3: {  	v7 =	vld [tilespmem:s24+$0x60]  }
0x1a4: {  	[tilespmem:s26+$0x400] =	vst.add.f32.msk $0xffff, v6  }
0x1a5: {  	v6 =	vld [tilespmem:s25+$0x410]  }
0x1a6: {  	[tilespmem:s11+$0x50] =	vst.add.f32.msk $0xffff, v8  }
0x1a7: {  	[tilespmem:s10+$0x50] =	vst.add.f32.msk $0xffff, v9  }
0x1a8: {  	v8 =	vld [tilespmem:s22+$0x60]  }
0x1a9: {  	v9 =	vld [tilespmem:s13+$0x60]  }
0x1aa: {  	[tilespmem:s26+$0x410] =	vst.add.f32.msk $0xffff, v6  }
0x1ab: {  	v6 =	vld [tilespmem:s25+$0x420]  }
0x1ac: {  	[tilespmem:s23+$0x60] =	vst.add.f32.msk $0xffff, v7  }
0x1ad: {  	[tilespmem:s11+$0x60] =	vst.add.f32.msk $0xffff, v8  }
0x1ae: {  	[tilespmem:s10+$0x60] =	vst.add.f32.msk $0xffff, v9  }
0x1af: {  	v7 =	vld [tilespmem:s24+$0x70]  }
0x1b0: {  	[tilespmem:s26+$0x420] =	vst.add.f32.msk $0xffff, v6  }
0x1b1: {  	v6 =	vld [tilespmem:s25+$0x430]  }
0x1b2: {  	v8 =	vld [tilespmem:s22+$0x70]  }
0x1b3: {  	v9 =	vld [tilespmem:s13+$0x70]  }
0x1b4: {  	[tilespmem:s23+$0x70] =	vst.add.f32.msk $0xffff, v7  }
0x1b5: {  	v7 =	vld [tilespmem:s24+$0x400]  }
0x1b6: {  	[tilespmem:s26+$0x430] =	vst.add.f32.msk $0xffff, v6  }
0x1b7: {  	v6 =	vld [tilespmem:s25+$0x440]  }
0x1b8: {  	[tilespmem:s11+$0x70] =	vst.add.f32.msk $0xffff, v8  }
0x1b9: {  	[tilespmem:s10+$0x70] =	vst.add.f32.msk $0xffff, v9  }
0x1ba: {  	v8 =	vld [tilespmem:s22+$0x400]  }
0x1bb: {  	v9 =	vld [tilespmem:s13+$0x400]  }
0x1bc: {  	[tilespmem:s26+$0x440] =	vst.add.f32.msk $0xffff, v6  }
0x1bd: {  	v6 =	vld [tilespmem:s25+$0x450]  }
0x1be: {  	[tilespmem:s23+$0x400] =	vst.add.f32.msk $0xffff, v7  }
0x1bf: {  	[tilespmem:s11+$0x400] =	vst.add.f32.msk $0xffff, v8  }
0x1c0: {  	[tilespmem:s10+$0x400] =	vst.add.f32.msk $0xffff, v9  }
0x1c1: {  	v7 =	vld [tilespmem:s24+$0x410]  }
0x1c2: {  	[tilespmem:s26+$0x450] =	vst.add.f32.msk $0xffff, v6  }
0x1c3: {  	v6 =	vld [tilespmem:s25+$0x460]  }
0x1c4: {  	v8 =	vld [tilespmem:s22+$0x410]  }
0x1c5: {  	v9 =	vld [tilespmem:s13+$0x410]  }
0x1c6: {  	[tilespmem:s23+$0x410] =	vst.add.f32.msk $0xffff, v7  }
0x1c7: {  	v7 =	vld [tilespmem:s24+$0x420]  }
0x1c8: {  	[tilespmem:s26+$0x460] =	vst.add.f32.msk $0xffff, v6  }
0x1c9: {  	v6 =	vld [tilespmem:s25+$0x470]  }
0x1ca: {  	[tilespmem:s11+$0x410] =	vst.add.f32.msk $0xffff, v8  }
0x1cb: {  	[tilespmem:s10+$0x410] =	vst.add.f32.msk $0xffff, v9  }
0x1cc: {  	v8 =	vld [tilespmem:s22+$0x420]  }
0x1cd: {  	v9 =	vld [tilespmem:s13+$0x420]  }
0x1ce: {  	[tilespmem:s26+$0x470] =	vst.add.f32.msk $0xffff, v6  }
0x1cf: {  	v6 =	vld [tilespmem:s25+$0x800]  }
0x1d0: {  	[tilespmem:s23+$0x420] =	vst.add.f32.msk $0xffff, v7  }
0x1d1: {  	[tilespmem:s11+$0x420] =	vst.add.f32.msk $0xffff, v8  }
0x1d2: {  	[tilespmem:s10+$0x420] =	vst.add.f32.msk $0xffff, v9  }
0x1d3: {  	v7 =	vld [tilespmem:s24+$0x430]  }
0x1d4: {  	[tilespmem:s26+$0x800] =	vst.add.f32.msk $0xffff, v6  }
0x1d5: {  	v6 =	vld [tilespmem:s25+$0x810]  }
0x1d6: {  	v8 =	vld [tilespmem:s22+$0x430]  }
0x1d7: {  	v9 =	vld [tilespmem:s13+$0x430]  }
0x1d8: {  	[tilespmem:s23+$0x430] =	vst.add.f32.msk $0xffff, v7  }
0x1d9: {  	v7 =	vld [tilespmem:s24+$0x440]  }
0x1da: {  	[tilespmem:s26+$0x810] =	vst.add.f32.msk $0xffff, v6  }
0x1db: {  	v6 =	vld [tilespmem:s25+$0x820]  }
0x1dc: {  	[tilespmem:s11+$0x430] =	vst.add.f32.msk $0xffff, v8  }
0x1dd: {  	[tilespmem:s10+$0x430] =	vst.add.f32.msk $0xffff, v9  }
0x1de: {  	v8 =	vld [tilespmem:s22+$0x440]  }
0x1df: {  	v9 =	vld [tilespmem:s13+$0x440]  }
0x1e0: {  	[tilespmem:s26+$0x820] =	vst.add.f32.msk $0xffff, v6  }
0x1e1: {  	v6 =	vld [tilespmem:s25+$0x830]  }
0x1e2: {  	[tilespmem:s23+$0x440] =	vst.add.f32.msk $0xffff, v7  }
0x1e3: {  	[tilespmem:s11+$0x440] =	vst.add.f32.msk $0xffff, v8  }
0x1e4: {  	[tilespmem:s10+$0x440] =	vst.add.f32.msk $0xffff, v9  }
0x1e5: {  	v7 =	vld [tilespmem:s24+$0x450]  }
0x1e6: {  	[tilespmem:s26+$0x830] =	vst.add.f32.msk $0xffff, v6  }
0x1e7: {  	v6 =	vld [tilespmem:s25+$0x840]  }
0x1e8: {  	v8 =	vld [tilespmem:s22+$0x450]  }
0x1e9: {  	v9 =	vld [tilespmem:s13+$0x450]  }
0x1ea: {  	[tilespmem:s23+$0x450] =	vst.add.f32.msk $0xffff, v7  }
0x1eb: {  	v7 =	vld [tilespmem:s24+$0x460]  }
0x1ec: {  	[tilespmem:s26+$0x840] =	vst.add.f32.msk $0xffff, v6  }
0x1ed: {  	v6 =	vld [tilespmem:s25+$0x850]  }
0x1ee: {  	[tilespmem:s11+$0x450] =	vst.add.f32.msk $0xffff, v8  }
0x1ef: {  	[tilespmem:s10+$0x450] =	vst.add.f32.msk $0xffff, v9  }
0x1f0: {  	v8 =	vld [tilespmem:s22+$0x460]  }
0x1f1: {  	v9 =	vld [tilespmem:s13+$0x460]  }
0x1f2: {  	[tilespmem:s26+$0x850] =	vst.add.f32.msk $0xffff, v6  }
0x1f3: {  	v6 =	vld [tilespmem:s25+$0x860]  }
0x1f4: {  	[tilespmem:s23+$0x460] =	vst.add.f32.msk $0xffff, v7  }
0x1f5: {  	[tilespmem:s11+$0x460] =	vst.add.f32.msk $0xffff, v8  }
0x1f6: {  	[tilespmem:s10+$0x460] =	vst.add.f32.msk $0xffff, v9  }
0x1f7: {  	v7 =	vld [tilespmem:s24+$0x470]  }
0x1f8: {  	[tilespmem:s26+$0x860] =	vst.add.f32.msk $0xffff, v6  }
0x1f9: {  	v6 =	vld [tilespmem:s25+$0x870]  }
0x1fa: {  	v8 =	vld [tilespmem:s22+$0x470]  }
0x1fb: {  	v9 =	vld [tilespmem:s13+$0x470]  }
0x1fc: {  	[tilespmem:s23+$0x470] =	vst.add.f32.msk $0xffff, v7  }
0x1fd: {  	v7 =	vld [tilespmem:s24+$0x800]  }
0x1fe: {  	[tilespmem:s26+$0x870] =	vst.add.f32.msk $0xffff, v6  }
0x1ff: {  	v6 =	vld [tilespmem:s25+$0xC00]  }
0x200: {  	[tilespmem:s11+$0x470] =	vst.add.f32.msk $0xffff, v8  }
0x201: {  	[tilespmem:s10+$0x470] =	vst.add.f32.msk $0xffff, v9  }
0x202: {  	v8 =	vld [tilespmem:s22+$0x800]  }
0x203: {  	v9 =	vld [tilespmem:s13+$0x800]  }
0x204: {  	[tilespmem:s26+$0xC00] =	vst.add.f32.msk $0xffff, v6  }
0x205: {  	v6 =	vld [tilespmem:s25+$0xC10]  }
0x206: {  	[tilespmem:s23+$0x800] =	vst.add.f32.msk $0xffff, v7  }
0x207: {  	[tilespmem:s11+$0x800] =	vst.add.f32.msk $0xffff, v8  }
0x208: {  	[tilespmem:s10+$0x800] =	vst.add.f32.msk $0xffff, v9  }
0x209: {  	v7 =	vld [tilespmem:s24+$0x810]  }
0x20a: {  	[tilespmem:s26+$0xC10] =	vst.add.f32.msk $0xffff, v6  }
0x20b: {  	v6 =	vld [tilespmem:s25+$0xC20]  }
0x20c: {  	v8 =	vld [tilespmem:s22+$0x810]  }
0x20d: {  	v9 =	vld [tilespmem:s13+$0x810]  }
0x20e: {  	[tilespmem:s23+$0x810] =	vst.add.f32.msk $0xffff, v7  }
0x20f: {  	v7 =	vld [tilespmem:s24+$0x820]  }
0x210: {  	[tilespmem:s26+$0xC20] =	vst.add.f32.msk $0xffff, v6  }
0x211: {  	v6 =	vld [tilespmem:s25+$0xC30]  }
0x212: {  	[tilespmem:s11+$0x810] =	vst.add.f32.msk $0xffff, v8  }
0x213: {  	[tilespmem:s10+$0x810] =	vst.add.f32.msk $0xffff, v9  }
0x214: {  	v8 =	vld [tilespmem:s22+$0x820]  }
0x215: {  	v9 =	vld [tilespmem:s13+$0x820]  }
0x216: {  	[tilespmem:s26+$0xC30] =	vst.add.f32.msk $0xffff, v6  }
0x217: {  	v6 =	vld [tilespmem:s25+$0xC40]  }
0x218: {  	[tilespmem:s23+$0x820] =	vst.add.f32.msk $0xffff, v7  }
0x219: {  	[tilespmem:s11+$0x820] =	vst.add.f32.msk $0xffff, v8  }
0x21a: {  	[tilespmem:s10+$0x820] =	vst.add.f32.msk $0xffff, v9  }
0x21b: {  	v7 =	vld [tilespmem:s24+$0x830]  }
0x21c: {  	[tilespmem:s26+$0xC40] =	vst.add.f32.msk $0xffff, v6  }
0x21d: {  	v6 =	vld [tilespmem:s25+$0xC50]  }
0x21e: {  	v8 =	vld [tilespmem:s22+$0x830]  }
0x21f: {  	v9 =	vld [tilespmem:s13+$0x830]  }
0x220: {  	[tilespmem:s23+$0x830] =	vst.add.f32.msk $0xffff, v7  }
0x221: {  	v7 =	vld [tilespmem:s24+$0x840]  }
0x222: {  	[tilespmem:s26+$0xC50] =	vst.add.f32.msk $0xffff, v6  }
0x223: {  	v6 =	vld [tilespmem:s25+$0xC60]  }
0x224: {  	[tilespmem:s11+$0x830] =	vst.add.f32.msk $0xffff, v8  }
0x225: {  	[tilespmem:s10+$0x830] =	vst.add.f32.msk $0xffff, v9  }
0x226: {  	v8 =	vld [tilespmem:s22+$0x840]  }
0x227: {  	v9 =	vld [tilespmem:s13+$0x840]  }
0x228: {  	[tilespmem:s26+$0xC60] =	vst.add.f32.msk $0xffff, v6  }
0x229: {  	v6 =	vld [tilespmem:s25+$0xC70]  }
0x22a: {  	[tilespmem:s23+$0x840] =	vst.add.f32.msk $0xffff, v7  }
0x22b: {  	[tilespmem:s11+$0x840] =	vst.add.f32.msk $0xffff, v8  }
0x22c: {  	[tilespmem:s10+$0x840] =	vst.add.f32.msk $0xffff, v9  }
0x22d: {  	v7 =	vld [tilespmem:s24+$0x850]  }
0x22e: {  	[tilespmem:s26+$0xC70] =	vst.add.f32.msk $0xffff, v6  }
0x22f: {  	v6 =	vld [tilespmem:s22+$0x850]  }
0x230: {  	v8 =	vld [tilespmem:s13+$0x850]  }
0x231: {  	[tilespmem:s17+$0xC60] =	vst.add.f32.msk $0xffff, v3  }
0x232: {  	[tilespmem:s23+$0x850] =	vst.add.f32.msk $0xffff, v7  }
0x233: {  	v3 =	vld [tilespmem:s24+$0x860]  }
0x234: {  	[tilespmem:s11+$0x850] =	vst.add.f32.msk $0xffff, v6  }
0x235: {  	[tilespmem:s10+$0x850] =	vst.add.f32.msk $0xffff, v8  }
0x236: {  	v6 =	vld [tilespmem:s22+$0x860]  }
0x237: {  	v7 =	vld [tilespmem:s13+$0x860]  }
0x238: {  	[tilespmem:s23+$0x860] =	vst.add.f32.msk $0xffff, v3  }
0x239: {  	v3 =	vld [tilespmem:s24+$0x870]  }
0x23a: {  	[tilespmem:s18+$0xC60] =	vst.add.f32.msk $0xffff, v4  }
0x23b: {  	[tilespmem:s11+$0x860] =	vst.add.f32.msk $0xffff, v6  }
0x23c: {  	[tilespmem:s10+$0x860] =	vst.add.f32.msk $0xffff, v7  }
0x23d: {  	v4 =	vld [tilespmem:s22+$0x870]  }
0x23e: {  	v6 =	vld [tilespmem:s13+$0x870]  }
0x23f: {  	[tilespmem:s23+$0x870] =	vst.add.f32.msk $0xffff, v3  }
0x240: {  	v3 =	vld [tilespmem:s24+$0xC00]  }
0x241: {  	[tilespmem:s19+$0xC60] =	vst.add.f32.msk $0xffff, v5  }
0x242: {  	[tilespmem:s11+$0x870] =	vst.add.f32.msk $0xffff, v4  }
0x243: {  	[tilespmem:s10+$0x870] =	vst.add.f32.msk $0xffff, v6  }
0x244: {  	v4 =	vld [tilespmem:s22+$0xC00]  }
0x245: {  	v5 =	vld [tilespmem:s13+$0xC00]  }
0x246: {  	[tilespmem:s23+$0xC00] =	vst.add.f32.msk $0xffff, v3  }
0x247: {  	v3 =	vld [tilespmem:s24+$0xC10]  }
0x248: {  	v6 =	vld [tilespmem:s14+$0xC70];
	s14 =	smov.u32 s24  }
0x249: {  	[tilespmem:s11+$0xC00] =	vst.add.f32.msk $0xffff, v4  }
0x24a: {  	[tilespmem:s10+$0xC00] =	vst.add.f32.msk $0xffff, v5  }
0x24b: {  	v4 =	vld [tilespmem:s22+$0xC10]  }
0x24c: {  	v5 =	vld [tilespmem:s13+$0xC10]  }
0x24d: {  	[tilespmem:s23+$0xC10] =	vst.add.f32.msk $0xffff, v3  }
0x24e: {  	v3 =	vld [tilespmem:s14+$0xC20]  }
0x24f: {  	v7 =	vld [tilespmem:s15+$0xC70];
	s15 =	smov.u32 s22  }
0x250: {  	[tilespmem:s11+$0xC10] =	vst.add.f32.msk $0xffff, v4  }
0x251: {  	[tilespmem:s10+$0xC10] =	vst.add.f32.msk $0xffff, v5  }
0x252: {  	v4 =	vld [tilespmem:s15+$0xC20]  }
0x253: {  	v5 =	vld [tilespmem:s13+$0xC20]  }
0x254: {  	[tilespmem:s23+$0xC20] =	vst.add.f32.msk $0xffff, v3  }
0x255: {  	v3 =	vld [tilespmem:s14+$0xC30]  }
0x256: {  	v8 =	vld [tilespmem:s16+$0xC70];
	s16 =	smov.u32 s13  }
0x257: {  	[tilespmem:s11+$0xC20] =	vst.add.f32.msk $0xffff, v4  }
0x258: {  	[tilespmem:s10+$0xC20] =	vst.add.f32.msk $0xffff, v5  }
0x259: {  	v4 =	vld [tilespmem:s15+$0xC30]  }
0x25a: {  	v5 =	vld [tilespmem:s16+$0xC30]  }
0x25b: {  	[tilespmem:s23+$0xC30] =	vst.add.f32.msk $0xffff, v3  }
0x25c: {  	v3 =	vld [tilespmem:s14+$0xC40]  }
0x25d: {  	[tilespmem:s17+$0xC70] =	vst.add.f32.msk $0xffff, v6;
	s17 =	smov.u32 s23  }
0x25e: {  	[tilespmem:s11+$0xC30] =	vst.add.f32.msk $0xffff, v4  }
0x25f: {  	[tilespmem:s10+$0xC30] =	vst.add.f32.msk $0xffff, v5  }
0x260: {  	v4 =	vld [tilespmem:s15+$0xC40]  }
0x261: {  	v5 =	vld [tilespmem:s16+$0xC40]  }
0x262: {  	[tilespmem:s17+$0xC40] =	vst.add.f32.msk $0xffff, v3  }
0x263: {  	v3 =	vld [tilespmem:s14+$0xC50]  }
0x264: {  	[tilespmem:s18+$0xC70] =	vst.add.f32.msk $0xffff, v7;
	s18 =	smov.u32 s11  }
0x265: {  	[tilespmem:s18+$0xC40] =	vst.add.f32.msk $0xffff, v4  }
0x266: {  	[tilespmem:s10+$0xC40] =	vst.add.f32.msk $0xffff, v5  }
.Ltmp3:
0x267: {  	v5 =	vld [tilespmem:s15+$0xC50];
	(pc) =	sbr.rel @p0 .LBB2_7-.Ltmp3, $4  }
0x268: {  	v4 =	vld [tilespmem:s16+$0xC50]  }
0x269: {  	[tilespmem:s17+$0xC50] =	vst.add.f32.msk $0xffff, v3  }
0x26a: {  	v3 =	vld [tilespmem:s14+$0xC60]  }
0x26b: {  	s21 =	sadd.s32 $0x200, s21;
	s6 =	sadd.s32 $0x800, s6;
	[tilespmem:s19+$0xC70] =	vst.add.f32.msk $0xffff, v8;
	s19 =	smov.u32 s10  }
0x26c: {  	[tilespmem:s18+$0xC50] =	vst.add.f32.msk $0xffff, v5  }
0x26d: {  	[tilespmem:s19+$0xC50] =	vst.add.f32.msk $0xffff, v4  }
0x26e: {  	v62 =	vld [tilespmem:s15+$0xC60]  }
0x26f: {  	v63 =	vld [tilespmem:s16+$0xC60];
	_ =	sdelay $0x1  }
0x270: {  	[tilespmem:s17+$0xC60] =	vst.add.f32.msk $0xffff, v3  }
0x271: {  	v3 =	vld [tilespmem:s14+$0xC70]  }
0x272: {  	[tilespmem:s18+$0xC60] =	vst.add.f32.msk $0xffff, v62  }
0x273: {  	[tilespmem:s19+$0xC60] =	vst.add.f32.msk $0xffff, v63  }
0x274: {  	v4 =	vld [tilespmem:s15+$0xC70]  }
0x275: {  	v5 =	vld [tilespmem:s16+$0xC70];
	_ =	sdelay $0x2  }
0x276: {  	[tilespmem:s17+$0xC70] =	vst.add.f32.msk $0xffff, v3  }
0x277: {  	p0 =	slt.u32 s28, $0x2;
	[tilespmem:s18+$0xC70] =	vst.add.f32.msk $0xffff, v4  }
0x278: {  	s1 =	sadd.s32 @!p0 $0x3, s30;
	[tilespmem:s19+$0xC70] =	vst.add.f32.msk $0xffff, v5  }
0x279: {  	_ =	swait.ge @!p0 [sflag:s1], $0x800  }
0x27a: {  	[sflag:s1] =	ssyncset.done @!p0 $0x0  }
0x27b: {  	[sflag:s1] =	ssyncadd.s32 @!p0 $0xFFFFF800;
	p0 =	slt.u32 s29, $0x40  }
.Ltmp4:
0x27c: {  	_ = 	snop;
	(pc) =	sbr.rel @p0 .LBB2_2-.Ltmp4, $3  }
0x27d: {  	_ =	sdelay $0x1  }
0x27e: {  	s2 =	sadd.s32 s31, s9;
	s28 =	smov.u32 s29;
	s30 =	sadd.s32 $0x7, s30  }
0x27f: {  	[spmem:s2] =	stream.linear.scatter [tilespmem:s0], [sflag:s30], $0x4000, $0x38;
	[tilespmem:$0x18800] =	vst v63  }
0x280: {  	s1 =	simm.s32 $0x8  }
0x281: {  	s0 =	stileid.u32;
	s28 =	simm.s32 $0x3;
	_ =	swait.ge [sflag:s1], $0x4000  }
0x282: {  	s0 =	sshll.u32 s0, $0x6;
	[sflag:s1] =	ssyncset.done $0x0;
	s26 =	rddreg [dreg:$0x5]  }
0x283: {  	s0 =	sor.u32 $0x1C04, s0;
	s2 =	rddreg [dreg:$0x7];
	[sflag:s1] =	ssyncadd.s32 $0xFFFFC000  }
0x284: {  	[hbm:s26], [sflag:s0] =	dma.local [spmem:s2], $0x800  }
0x285: {  	_ =	swait.ge [sflag:s28], $0x800  }
0x286: {  	[sflag:s28] =	ssyncset.done $0x0  }
0x287: {  	s29 =	simm.s32 $0x4;
	[sflag:s28] =	ssyncadd.s32 $0xFFFFF800  }
0x288: {  	_ =	swait.ge [sflag:s29], $0x800  }
0x289: {  	s30 =	rddreg [dreg:$0x8]  }
0x28a: {  	s31 =	rddreg [dreg:$0x6];
	s2 =	sadd.s32 $0x1, s30  }
0x28b: {  	p0 =	sne.s32 s2, s31  }
.Ltmp5:
0x28c: {  	_ = 	snop;
	(pc) =	sbr.rel @p0 .LBB2_1-.Ltmp5, $3  }
0x28d: {  	_ =	sdelay $0x1  }
0x28e: {  	[sflag:s29] =	ssyncset.done $0x0  }
0x28f: {  	[sflag:s29] =	ssyncadd.s32 $0xFFFFF800  }
0x290: {  	_ =	sfence.sel $0x180000  }
0x291: {  	[bflag:$0x0] =	sbarrier.arrive $0xFFFF  }
0x292: {  	_ =	strace $0x90000047  }
0x293: {  	s0 =	stileid.u32;
	[bflag:$0x2] =	sbarrier.arrive $0xFFFF  }
0x294: {  	p0 =	sne.s32 s0, $0x0;
	s0 =	rddreg [dreg:$0x3]  }
0x295: {  	s0 =	sadd.s32 @!p0 $0x100000, s0  }
0x296: {  	[sflag:s0] =	ssyncadd.tile.s32 @!p0 $0x1;
	_ =	shalt  }
.Lfunc_end2:
_tile_overlayer_lowered:
.L_overlay_start_2:
0x297: {  	(tag) =	ssettag $0x2  }
0x298: {  	s0 =	rddreg [dreg:$0x0];
	s2 =	stileid.u32  }
0x299: {  	s1 =	rddreg [dreg:$0x1];
	p0 =	sne.s32 s2, $0x0  }
0x29a: {  	s3 =	rddreg [dreg:$0x2];
	[bflag:$0x3] =	sbarrier.arrive $0xFFFF;
	s2 =	simm.s32 @!p0 $0x1C09  }
0x29b: {  	[timem:s3], [sflag:s2] =	dma.local @!p0 [hbm:s0], s1  }
0x29c: {  	s0 =	simm.s32 @!p0 $0x9  }
0x29d: {  	_ =	swait.ge @!p0 [sflag:s0], s1  }
0x29e: {  	s1 =	ssub.s32 @!p0 $0x0, s1;
	[sflag:s0] =	ssyncset.done @!p0 $0x0  }
0x29f: {  	[sflag:s0] =	ssyncadd.s32 @!p0 s1  }
0x2a0: {  	[bflag:$0x3] =	sbarrier.arrive $0xFFFF  }
0x2a1: {  	_ =	shalt  }

</sc_bundles>
